<compile_context>
chip_gen: v7x
topology: tpu7x:2x2x1
jax: 0.10.2.dev20260603
libtpu: 0.0.44.dev20260713+nightly
codegen_flags: <defaults>
</compile_context>

<pallas_src>
import functools

import jax
import jax.numpy as jnp
from jax import lax
from jax.experimental import pallas as pl
from jax.experimental.pallas import tpu as pltpu
from jax.experimental.pallas import tpu_sc as plsc

_N = 10000
_E = 320000
_H = 128
_DE = 9

_NW = 32
_NP = 10240
_RPT = _NP // _NW
_KS = 8000
_NSC = _E // _KS
_KG = 80

_RB = 400
_NB = _N // _RB

_f32 = jnp.float32
_i32 = jnp.int32


def _sc_mesh():
    return plsc.VectorSubcoreMesh(core_axis_name="c", subcore_axis_name="s")



@functools.partial(
    pl.kernel,
    out_type=jax.ShapeDtypeStruct((_NP, 16), _f32),
    mesh=_sc_mesh(),
    compiler_params=pltpu.CompilerParams(needs_layout_passes=False),
    scratch_types=[
        pltpu.VMEM((_N + 16,), _i32),
        pltpu.VMEM((_KS,), _i32),
        pltpu.VMEM((_KS,), _i32),
        pltpu.VMEM((_KS + _KG,), _i32),
        pltpu.VMEM((_KS + _KG,), _i32),
        pltpu.VMEM((_KS + _KG,), _i32),
        pltpu.VMEM((_KS + _KG,), _i32),
        pltpu.VMEM((2, _KG, _H), _f32),
        pltpu.VMEM((_RPT, 16), _f32),
        pltpu.SemaphoreType.DMA((2,)),
    ],
)
def _sc_edge_stats(dst_hbm, src_hbm, epack_hbm, x_hbm, out_hbm,
                   x_v, dst_v, src_v, mdst_v, msrc_v, meid_v, mrow_v, rows_v,
                   acc_v, sem):
    c = lax.axis_index("c")
    s = lax.axis_index("s")
    wid = s * 2 + c
    lo = wid * _RPT
    zeros16 = jnp.zeros((16,), _f32)
    iota = lax.iota(_i32, 16)

    def _zrow(i, carry):
        acc_v[i, :] = zeros16
        return carry

    lax.fori_loop(0, _RPT, _zrow, 0)
    pltpu.sync_copy(x_hbm, x_v.at[pl.ds(0, _N)])

    def _chunk(ci, carry):
        e0 = ci * _KS
        pltpu.sync_copy(dst_hbm.at[pl.ds(e0, _KS)], dst_v)
        pltpu.sync_copy(src_hbm.at[pl.ds(e0, _KS)], src_v)

        def _group(gi, mc):
            d16 = dst_v[pl.ds(gi * 16, 16)]
            s16 = src_v[pl.ds(gi * 16, 16)]
            dl16 = d16 - lo
            mask = (dl16 >= 0) & (dl16 < _RPT)
            plsc.store_compressed(mdst_v.at[pl.ds(mc, 16)], dl16, mask=mask)
            plsc.store_compressed(msrc_v.at[pl.ds(mc, 16)], s16, mask=mask)
            e16 = iota + (e0 + gi * 16)
            plsc.store_compressed(meid_v.at[pl.ds(mc, 16)], e16, mask=mask)
            plsc.store_compressed(mrow_v.at[pl.ds(mc, 16)],
                                  lax.shift_right_logical(e16, 3), mask=mask)
            return mc + plsc.all_reduce_population_count(mask)[0]

        mc = lax.fori_loop(0, _KS // 16, _group, 0)

        zi16 = jnp.zeros((16,), _i32)
        for j in range(_KG // 16):
            mrow_v[pl.ds(mc + j * 16, 16)] = zi16
        ng = (mc + _KG - 1) // _KG
        onehot10 = (iota == 10).astype(_f32)

        @pl.when(ng > 0)
        def _():
            pltpu.async_copy(
                epack_hbm.at[mrow_v.at[pl.ds(0, _KG)]], rows_v.at[0],
                sem.at[0])

        def _gblock(gi, carry1):
            p = jnp.bitwise_and(gi, 1)
            pltpu.make_async_copy(
                epack_hbm.at[mrow_v.at[pl.ds(gi * _KG, _KG)]], rows_v.at[p],
                sem.at[p]).wait()

            @pl.when(gi + 1 < ng)
            def _():
                pn = 1 - p
                pltpu.async_copy(
                    epack_hbm.at[mrow_v.at[pl.ds((gi + 1) * _KG, _KG)]],
                    rows_v.at[pn], sem.at[pn])

            nedge = jnp.minimum(_KG, mc - gi * _KG)

            def _edge(k, carry2):
                kk = gi * _KG + k
                e = meid_v[pl.ds(kk, 16)][0]
                dl = mdst_v[pl.ds(kk, 16)][0]
                sv = msrc_v[pl.ds(kk, 16)][0]
                xv = x_v[pl.ds(sv, 16)][0].astype(_f32)
                off = jnp.bitwise_and(e, 7) * 16
                vals = rows_v[p, k, pl.ds(off, 16)]
                acc_v[dl, :] = acc_v[dl, :] + vals + xv * onehot10
                return carry2

            lax.fori_loop(0, nedge, _edge, 0)
            return carry1

        lax.fori_loop(0, ng, _gblock, 0)
        return carry

    lax.fori_loop(0, _NSC, _chunk, 0)
    pltpu.sync_copy(acc_v, out_hbm.at[pl.ds(lo, _RPT)])



@functools.partial(
    pl.kernel,
    out_type=jax.ShapeDtypeStruct((_NP, _H), _f32),
    mesh=_sc_mesh(),
    compiler_params=pltpu.CompilerParams(needs_layout_passes=False),
    scratch_types=[
        pltpu.VMEM((_KS,), _i32),
        pltpu.VMEM((_KS,), _i32),
        pltpu.VMEM((_KS + _KG,), _i32),
        pltpu.VMEM((_KS + _KG,), _i32),
        pltpu.VMEM((2, _KG, _H), _f32),
        pltpu.VMEM((_RPT, _H), _f32),
        pltpu.SemaphoreType.DMA((2,)),
    ],
)
def _sc_spmm(dst_hbm, src_hbm, h1_hbm, out_hbm,
             dst_v, src_v, mdst_v, msrc_v, rows_v, acc_v, sem):
    c = lax.axis_index("c")
    s = lax.axis_index("s")
    wid = s * 2 + c
    lo = wid * _RPT
    zeros16 = jnp.zeros((16,), _f32)
    iota = lax.iota(_i32, 16)

    def _zrow(i, carry):
        for j in range(_H // 16):
            acc_v[i, pl.ds(j * 16, 16)] = zeros16
        return carry

    lax.fori_loop(0, _RPT, _zrow, 0)

    def _chunk(ci, carry):
        e0 = ci * _KS
        pltpu.sync_copy(dst_hbm.at[pl.ds(e0, _KS)], dst_v)
        pltpu.sync_copy(src_hbm.at[pl.ds(e0, _KS)], src_v)

        def _group(gi, mc):
            d16 = dst_v[pl.ds(gi * 16, 16)]
            s16 = src_v[pl.ds(gi * 16, 16)]
            dl16 = d16 - lo
            mask = (dl16 >= 0) & (dl16 < _RPT)
            plsc.store_compressed(mdst_v.at[pl.ds(mc, 16)], dl16, mask=mask)
            plsc.store_compressed(msrc_v.at[pl.ds(mc, 16)], s16, mask=mask)
            return mc + plsc.all_reduce_population_count(mask)[0]

        mc = lax.fori_loop(0, _KS // 16, _group, 0)

        zi16 = jnp.zeros((16,), _i32)
        for j in range(_KG // 16):
            msrc_v[pl.ds(mc + j * 16, 16)] = zi16
        ng = (mc + _KG - 1) // _KG

        @pl.when(ng > 0)
        def _():
            pltpu.async_copy(
                h1_hbm.at[msrc_v.at[pl.ds(0, _KG)]], rows_v.at[0], sem.at[0])

        def _gblock(gi, carry1):
            p = jnp.bitwise_and(gi, 1)
            pltpu.make_async_copy(
                h1_hbm.at[msrc_v.at[pl.ds(gi * _KG, _KG)]], rows_v.at[p],
                sem.at[p]).wait()

            @pl.when(gi + 1 < ng)
            def _():
                pn = 1 - p
                pltpu.async_copy(
                    h1_hbm.at[msrc_v.at[pl.ds((gi + 1) * _KG, _KG)]],
                    rows_v.at[pn], sem.at[pn])

            nedge = jnp.minimum(_KG, mc - gi * _KG)

            def _edge(k, carry2):
                kk = gi * _KG + k
                dl = mdst_v[pl.ds(kk, 16)][0]
                vals = [rows_v[p, k, pl.ds(j * 16, 16)]
                        for j in range(_H // 16)]
                avs = [acc_v[dl, pl.ds(j * 16, 16)]
                       for j in range(_H // 16)]
                for j in range(_H // 16):
                    acc_v[dl, pl.ds(j * 16, 16)] = avs[j] + vals[j]
                return carry2

            lax.fori_loop(0, nedge, _edge, 0)
            return carry1

        lax.fori_loop(0, ng, _gblock, 0)
        return carry

    lax.fori_loop(0, _NSC, _chunk, 0)
    pltpu.sync_copy(acc_v, out_hbm.at[pl.ds(lo, _RPT)])



def _row_spec(cols):
    return pl.BlockSpec((_RB, cols), lambda i: (i, 0))


def _full_spec(shape):
    nd = len(shape)
    return pl.BlockSpec(shape, lambda i, _nd=nd: (0,) * _nd)


def _stats_tail(z, s_ref, q_ref):
    cs = jnp.sum(z, axis=0, keepdims=True)
    cq = jnp.sum(z * z, axis=0, keepdims=True)

    @pl.when(pl.program_id(0) == 0)
    def _():
        s_ref[...] = cs
        q_ref[...] = cq

    @pl.when(pl.program_id(0) != 0)
    def _():
        s_ref[...] = s_ref[...] + cs
        q_ref[...] = q_ref[...] + cq


def _a0_body(acc_ref, xf_ref, emb_ref, sla_ref, We_ref, be_ref,
             W1_ref, b1_ref, z_ref, s_ref, q_ref):
    acc = acc_ref[...]
    degt = acc[:, 9:10] + 1.0
    St = acc[:, 10:11] + xf_ref[...]
    e0 = emb_ref[0:1, :]
    d10 = emb_ref[1:2, :] - e0
    node = degt * e0 + St * d10
    at = acc + sla_ref[...]
    edgep = jnp.dot(at, We_ref[...], preferred_element_type=_f32)
    edgep = edgep + degt * be_ref[...]
    agg = jnp.concatenate([node, edgep], axis=1)
    z = jnp.dot(agg, W1_ref[...], preferred_element_type=_f32) + b1_ref[...]
    z_ref[...] = z
    _stats_tail(z, s_ref, q_ref)


def _a1_body(p_ref, h1_ref, acc_ref, sla_ref, We_ref,
             be_ref, W1_ref, b1_ref, z_ref, s_ref, q_ref):
    acc = acc_ref[...]
    degt = acc[:, 9:10] + 1.0
    node = p_ref[...] + h1_ref[...]
    at = acc + sla_ref[...]
    edgep = jnp.dot(at, We_ref[...], preferred_element_type=_f32)
    edgep = edgep + degt * be_ref[...]
    agg = jnp.concatenate([node, edgep], axis=1)
    z = jnp.dot(agg, W1_ref[...], preferred_element_type=_f32) + b1_ref[...]
    z_ref[...] = z
    _stats_tail(z, s_ref, q_ref)


def _b_body(final_relu, z_ref, s_ref, q_ref, g_ref, bt_ref, W2_ref, b2_ref,
            o_ref):
    inv_n = _f32(1.0 / _N)
    m = s_ref[...] * inv_n
    var = q_ref[...] * inv_n - m * m
    rstd = lax.rsqrt(var + 1e-5)
    zn = (z_ref[...] - m) * (rstd * g_ref[...]) + bt_ref[...]
    r = jnp.maximum(zn, 0.0)
    o = jnp.dot(r, W2_ref[...], preferred_element_type=_f32) + b2_ref[...]
    if final_relu:
        o = jnp.maximum(o, 0.0)
    o_ref[...] = o


def _tc_a0(acc, xf, emb, sla16, We16, be, W1, b1):
    return pl.pallas_call(
        _a0_body,
        grid=(_NB,),
        in_specs=[
            _row_spec(16), _row_spec(1),
            _full_spec((2, _H)), _full_spec((1, 16)), _full_spec((16, _H)),
            _full_spec((1, _H)), _full_spec((2 * _H, 2 * _H)),
            _full_spec((1, 2 * _H)),
        ],
        out_specs=[
            _row_spec(2 * _H),
            _full_spec((1, 2 * _H)), _full_spec((1, 2 * _H)),
        ],
        out_shape=[
            jax.ShapeDtypeStruct((_N, 2 * _H), _f32),
            jax.ShapeDtypeStruct((1, 2 * _H), _f32),
            jax.ShapeDtypeStruct((1, 2 * _H), _f32),
        ],
    )(acc, xf, emb, sla16, We16, be, W1, b1)


def _tc_a1(p, h1, acc, sla16, We16, be, W1, b1):
    return pl.pallas_call(
        _a1_body,
        grid=(_NB,),
        in_specs=[
            _row_spec(_H), _row_spec(_H), _row_spec(16),
            _full_spec((1, 16)), _full_spec((16, _H)), _full_spec((1, _H)),
            _full_spec((2 * _H, 2 * _H)), _full_spec((1, 2 * _H)),
        ],
        out_specs=[
            _row_spec(2 * _H),
            _full_spec((1, 2 * _H)), _full_spec((1, 2 * _H)),
        ],
        out_shape=[
            jax.ShapeDtypeStruct((_N, 2 * _H), _f32),
            jax.ShapeDtypeStruct((1, 2 * _H), _f32),
            jax.ShapeDtypeStruct((1, 2 * _H), _f32),
        ],
    )(p, h1, acc, sla16, We16, be, W1, b1)


def _tc_b(z, ssum, sq, g, bt, W2, b2, final_relu):
    return pl.pallas_call(
        functools.partial(_b_body, final_relu),
        grid=(_NB,),
        in_specs=[
            _row_spec(2 * _H),
            _full_spec((1, 2 * _H)), _full_spec((1, 2 * _H)),
            _full_spec((1, 2 * _H)), _full_spec((1, 2 * _H)),
            _full_spec((2 * _H, _H)), _full_spec((1, _H)),
        ],
        out_specs=_row_spec(_H),
        out_shape=jax.ShapeDtypeStruct((_N, _H), _f32),
    )(z, ssum, sq, g, bt, W2, b2)



def kernel(x, edge_index, edge_attr, self_loop_index, self_loop_type, embed,
           We0, be0, W10, b10, g0, bt0, W20, b20,
           We1, be1, W11, b11, g1, bt1, W21, b21):
    xi = x.astype(_i32)
    src = edge_index[1].astype(_i32)
    dst = edge_index[0].astype(_i32)
    eap = jnp.concatenate(
        [edge_attr.astype(_f32),
         jnp.ones((_E, 1), _f32),
         jnp.zeros((_E, 6), _f32)], axis=1)

    epack = eap.reshape(_E // 8, 8 * 16)
    acc16 = _sc_edge_stats(dst, src, epack, xi)
    acc = acc16[:_N]

    xf = xi.astype(_f32).reshape(_N, 1)
    sltf = jnp.asarray(self_loop_type, _f32)
    sla16 = jnp.zeros((1, 16), _f32).at[0, self_loop_index].set(sltf)
    zpad = jnp.zeros((16 - _DE, _H), _f32)
    We16_0 = jnp.concatenate([We0.astype(_f32), zpad], axis=0)
    We16_1 = jnp.concatenate([We1.astype(_f32), zpad], axis=0)

    z0, s0, q0 = _tc_a0(acc, xf, embed, sla16, We16_0,
                        be0.reshape(1, _H), W10, b10.reshape(1, 2 * _H))
    h1 = _tc_b(z0, s0, q0, g0.reshape(1, -1), bt0.reshape(1, -1),
               W20, b20.reshape(1, -1), final_relu=True)

    p = _sc_spmm(dst, src, h1)

    z1, s1, q1 = _tc_a1(p[:_N], h1, acc, sla16, We16_1,
                        be1.reshape(1, _H), W11, b11.reshape(1, 2 * _H))
    out = _tc_b(z1, s1, q1, g1.reshape(1, -1), bt1.reshape(1, -1),
                W21, b21.reshape(1, -1), final_relu=False)
    return out

# --- scband reference (transcript-rebuilt; emitter-appended) ---
"""Pipeline reference for scband-finetuner-75977971466805 (READ-ONLY COPY).

The authoritative reference and input builder live on the scoring server;
editing this copy changes nothing except your own understanding.
"""

import jax, jax.numpy as jnp
import numpy as np

N = 10000
E = 320000
H = 128
DE = 9

def _bn(z, g, b):
    m = jnp.mean(z, axis=0)
    v = jnp.var(z, axis=0)
    return (z - m) / jnp.sqrt(v + 1e-5) * g + b

def _gin(x_feat, ei, edge_emb, W1, b1, g, b, W2, b2):
    h = jnp.concatenate([x_feat[ei[1]], edge_emb], axis=1)
    agg = jax.ops.segment_sum(h, ei[0], num_segments=x_feat.shape[0])
    z = agg @ W1 + b1
    z = _bn(z, g, b)
    z = jax.nn.relu(z)
    return z @ W2 + b2

def setup_inputs(seed: int = 0):
    key = jax.random.key(seed)
    ks = jax.random.split(key, 32)
    inp = {}
    inp['x'] = jax.random.randint(ks[0], (N,), 0, 2)
    inp['edge_index'] = jax.random.randint(ks[1], (2, E), 0, N)
    inp['edge_attr'] = jax.random.normal(ks[2], (E, DE), dtype=jnp.float32)
    inp['self_loop_index'] = 7
    inp['self_loop_type'] = 1
    inp['embed'] = jax.random.normal(ks[3], (2, H), dtype=jnp.float32) * float((6.0 / (2 + H)) ** 0.5)
    def lin(k, fi, fo):
        return jax.random.uniform(k, (fi, fo), jnp.float32, -1.0, 1.0) / np.sqrt(fi)
    for i in range(2):
        o = 4 + i * 9
        inp['We%d' % i] = lin(ks[o], DE, H)
        inp['be%d' % i] = jnp.zeros((H,), jnp.float32)
        inp['W1%d' % i] = lin(ks[o + 1], 2 * H, 2 * H)
        inp['b1%d' % i] = jnp.zeros((2 * H,), jnp.float32)
        inp['g%d' % i] = jnp.ones((2 * H,), jnp.float32)
        inp['bt%d' % i] = jnp.zeros((2 * H,), jnp.float32)
        inp['W2%d' % i] = lin(ks[o + 2], 2 * H, H)
        inp['b2%d' % i] = jnp.zeros((H,), jnp.float32)
    return inp

def reference(x, edge_index, edge_attr, self_loop_index, self_loop_type, embed,
              We0, be0, W10, b10, g0, bt0, W20, b20,
              We1, be1, W11, b11, g1, bt1, W21, b21):
    n = x.shape[0]
    loop = jnp.arange(n, dtype=edge_index.dtype)
    ei = jnp.concatenate([edge_index, jnp.stack([loop, loop])], axis=1)
    sla = jnp.zeros((n, edge_attr.shape[1]), edge_attr.dtype).at[:, self_loop_index].set(jnp.asarray(self_loop_type, edge_attr.dtype))
    ea = jnp.concatenate([edge_attr, sla], axis=0)
    h0 = embed[x]
    h1 = _gin(h0, ei, ea @ We0 + be0, W10, b10, g0, bt0, W20, b20)
    h1 = jax.nn.relu(h1)
    h2 = _gin(h1, ei, ea @ We1 + be1, W11, b11, g1, bt1, W21, b21)
    return h2

if __name__ == "__main__":
    import jax
    _d = setup_inputs()
    print(jax.jit(kernel)(*tuple(_d.values())))

</pallas_src>

<mosaic_0001>
#map = affine_map<(d0, d1) -> (0)>
#map1 = affine_map<(d0, d1) -> (0, 0)>
module attributes {stable_mosaic.version = 14 : i64} {
  func.func @_sc_spmm(%arg0: i32, %arg1: i32, %arg2: memref<320000xi32, #tpu.memory_space<hbm>>, %arg3: memref<320000xi32, #tpu.memory_space<hbm>>, %arg4: memref<10000x128xf32, #tpu.memory_space<hbm>>, %arg5: memref<10240x128xf32, #tpu.memory_space<hbm>>, %arg6: memref<8000xi32, #tpu.memory_space<vmem>>, %arg7: memref<8000xi32, #tpu.memory_space<vmem>>, %arg8: memref<8080xi32, #tpu.memory_space<vmem>>, %arg9: memref<8080xi32, #tpu.memory_space<vmem>>, %arg10: memref<2x80x128xf32, #tpu.memory_space<vmem>>, %arg11: memref<320x128xf32, #tpu.memory_space<vmem>>, %arg12: memref<2x!tpu.dma_semaphore, #tpu.memory_space<semaphore_mem>>) attributes {dimension_semantics = [#tpu.dimension_semantics<core_parallel>, #tpu.dimension_semantics<subcore_parallel>], iteration_bounds = array<i64: 2, 16>, scalar_prefetch = 0 : i64, scratch_operands = 7 : i64, tpu.core_type = #tpu.core_type<sc_vector_subcore>, window_params = [{transform_indices = #map}, {transform_indices = #map}, {transform_indices = #map1}, {transform_indices = #map1}]} {
    %mul3A = arith.constant 2 : i32
    %mul3A_0 = arith.muli %arg1, %mul3A : i32
    %add3A = arith.addi %mul3A_0, %arg0 : i32
    %mul3A_1 = arith.constant 320 : i32
    %mul3A_2 = arith.muli %add3A, %mul3A_1 : i32
    %broadcast_in_dim3A = arith.constant 0.000000e+00 : f32
    %broadcast_in_dim3A_3 = vector.broadcast %broadcast_in_dim3A : f32 to vector<16xf32>
    %iota3A = tpu.iota {dimensions = array<i32: 0>} : vector<16xi32>
    %scan3A = arith.constant 0 : i32
    %scan3A_4 = arith.constant 0 : i32
    %scan3A_5 = arith.constant 320 : i32
    %scan3A_6 = arith.addi %scan3A_4, %scan3A_5 : i32
    %scan3A_7 = arith.constant 1 : i32
    scf.for %scan3A_15 = %scan3A_4 to %scan3A_6 step %scan3A_7  : i32 {
      %swap3A = arith.index_cast %scan3A_15 : i32 to index
      %swap3A_16 = arith.constant 0 : index
      %swap3A_17 = tpu.vector_load %arg11[%swap3A, %swap3A_16] {strides = array<i32>} : memref<320x128xf32, #tpu.memory_space<vmem>>, vector<16xf32>,
      tpu.vector_store %arg11[%swap3A, %swap3A_16], %broadcast_in_dim3A_3 {strides = array<i32>} : memref<320x128xf32, #tpu.memory_space<vmem>>, vector<16xf32>,
      %swap3A_18 = arith.index_cast %scan3A_15 : i32 to index
      %swap3A_19 = arith.constant 16 : index
      %swap3A_20 = tpu.vector_load %arg11[%swap3A_18, %swap3A_19] {strides = array<i32>} : memref<320x128xf32, #tpu.memory_space<vmem>>, vector<16xf32>,
      tpu.vector_store %arg11[%swap3A_18, %swap3A_19], %broadcast_in_dim3A_3 {strides = array<i32>} : memref<320x128xf32, #tpu.memory_space<vmem>>, vector<16xf32>,
      %swap3A_21 = arith.index_cast %scan3A_15 : i32 to index
      %swap3A_22 = arith.constant 32 : index
      %swap3A_23 = tpu.vector_load %arg11[%swap3A_21, %swap3A_22] {strides = array<i32>} : memref<320x128xf32, #tpu.memory_space<vmem>>, vector<16xf32>,
      tpu.vector_store %arg11[%swap3A_21, %swap3A_22], %broadcast_in_dim3A_3 {strides = array<i32>} : memref<320x128xf32, #tpu.memory_space<vmem>>, vector<16xf32>,
      %swap3A_24 = arith.index_cast %scan3A_15 : i32 to index
      %swap3A_25 = arith.constant 48 : index
      %swap3A_26 = tpu.vector_load %arg11[%swap3A_24, %swap3A_25] {strides = array<i32>} : memref<320x128xf32, #tpu.memory_space<vmem>>, vector<16xf32>,
      tpu.vector_store %arg11[%swap3A_24, %swap3A_25], %broadcast_in_dim3A_3 {strides = array<i32>} : memref<320x128xf32, #tpu.memory_space<vmem>>, vector<16xf32>,
      %swap3A_27 = arith.index_cast %scan3A_15 : i32 to index
      %swap3A_28 = arith.constant 64 : index
      %swap3A_29 = tpu.vector_load %arg11[%swap3A_27, %swap3A_28] {strides = array<i32>} : memref<320x128xf32, #tpu.memory_space<vmem>>, vector<16xf32>,
      tpu.vector_store %arg11[%swap3A_27, %swap3A_28], %broadcast_in_dim3A_3 {strides = array<i32>} : memref<320x128xf32, #tpu.memory_space<vmem>>, vector<16xf32>,
      %swap3A_30 = arith.index_cast %scan3A_15 : i32 to index
      %swap3A_31 = arith.constant 80 : index
      %swap3A_32 = tpu.vector_load %arg11[%swap3A_30, %swap3A_31] {strides = array<i32>} : memref<320x128xf32, #tpu.memory_space<vmem>>, vector<16xf32>,
      tpu.vector_store %arg11[%swap3A_30, %swap3A_31], %broadcast_in_dim3A_3 {strides = array<i32>} : memref<320x128xf32, #tpu.memory_space<vmem>>, vector<16xf32>,
      %swap3A_33 = arith.index_cast %scan3A_15 : i32 to index
      %swap3A_34 = arith.constant 96 : index
      %swap3A_35 = tpu.vector_load %arg11[%swap3A_33, %swap3A_34] {strides = array<i32>} : memref<320x128xf32, #tpu.memory_space<vmem>>, vector<16xf32>,
      tpu.vector_store %arg11[%swap3A_33, %swap3A_34], %broadcast_in_dim3A_3 {strides = array<i32>} : memref<320x128xf32, #tpu.memory_space<vmem>>, vector<16xf32>,
      %swap3A_36 = arith.index_cast %scan3A_15 : i32 to index
      %swap3A_37 = arith.constant 112 : index
      %swap3A_38 = tpu.vector_load %arg11[%swap3A_36, %swap3A_37] {strides = array<i32>} : memref<320x128xf32, #tpu.memory_space<vmem>>, vector<16xf32>,
      tpu.vector_store %arg11[%swap3A_36, %swap3A_37], %broadcast_in_dim3A_3 {strides = array<i32>} : memref<320x128xf32, #tpu.memory_space<vmem>>, vector<16xf32>,
    }
    %scan3A_8 = arith.constant 320 : i32
    %scan3A_9 = arith.constant 0 : i32
    %scan3A_10 = arith.constant 0 : i32
    %scan3A_11 = arith.constant 40 : i32
    %scan3A_12 = arith.addi %scan3A_10, %scan3A_11 : i32
    %scan3A_13 = arith.constant 1 : i32
    scf.for %scan3A_15 = %scan3A_10 to %scan3A_12 step %scan3A_13  : i32 {
      %mul3A_16 = arith.constant 8000 : i32
      %mul3A_17 = arith.muli %scan3A_15, %mul3A_16 : i32
      "tpu.region"() ({
        %run_scoped3A = tpu.sem_alloc : memref<!tpu.dma_semaphore, #tpu.memory_space<semaphore_mem>>
        %dma_start3A = tpu.memref_slice %arg2[%mul3A_17] : memref<320000xi32, #tpu.memory_space<hbm>> -> memref<8000xi32, #tpu.memory_space<hbm>>
        %dma_start3A_77 = tpu.memref_slice %arg2[%mul3A_17] : memref<320000xi32, #tpu.memory_space<hbm>> -> memref<8000xi32, #tpu.memory_space<hbm>>
        tpu.enqueue_dma source(%dma_start3A_77 : memref<8000xi32, #tpu.memory_space<hbm>>) target(%arg6 : memref<8000xi32, #tpu.memory_space<vmem>>) target_semaphore(%run_scoped3A : memref<!tpu.dma_semaphore, #tpu.memory_space<semaphore_mem>>)
        %dma_wait3A = tpu.memref_slice %arg2[%mul3A_17] : memref<320000xi32, #tpu.memory_space<hbm>> -> memref<8000xi32, #tpu.memory_space<hbm>>
        %dma_wait3A_78 = tpu.memref_slice %arg2[%mul3A_17] : memref<320000xi32, #tpu.memory_space<hbm>> -> memref<8000xi32, #tpu.memory_space<hbm>>
        tpu.wait_dma2 semaphore(%run_scoped3A : memref<!tpu.dma_semaphore, #tpu.memory_space<semaphore_mem>>) src(%dma_wait3A_78 : memref<8000xi32, #tpu.memory_space<hbm>>) dst(%arg6 : memref<8000xi32, #tpu.memory_space<vmem>>)
        tpu.yield
      }) : () -> ()
      "tpu.region"() ({
        %run_scoped3A = tpu.sem_alloc : memref<!tpu.dma_semaphore, #tpu.memory_space<semaphore_mem>>
        %dma_start3A = tpu.memref_slice %arg3[%mul3A_17] : memref<320000xi32, #tpu.memory_space<hbm>> -> memref<8000xi32, #tpu.memory_space<hbm>>
        %dma_start3A_77 = tpu.memref_slice %arg3[%mul3A_17] : memref<320000xi32, #tpu.memory_space<hbm>> -> memref<8000xi32, #tpu.memory_space<hbm>>
        tpu.enqueue_dma source(%dma_start3A_77 : memref<8000xi32, #tpu.memory_space<hbm>>) target(%arg7 : memref<8000xi32, #tpu.memory_space<vmem>>) target_semaphore(%run_scoped3A : memref<!tpu.dma_semaphore, #tpu.memory_space<semaphore_mem>>)
        %dma_wait3A = tpu.memref_slice %arg3[%mul3A_17] : memref<320000xi32, #tpu.memory_space<hbm>> -> memref<8000xi32, #tpu.memory_space<hbm>>
        %dma_wait3A_78 = tpu.memref_slice %arg3[%mul3A_17] : memref<320000xi32, #tpu.memory_space<hbm>> -> memref<8000xi32, #tpu.memory_space<hbm>>
        tpu.wait_dma2 semaphore(%run_scoped3A : memref<!tpu.dma_semaphore, #tpu.memory_space<semaphore_mem>>) src(%dma_wait3A_78 : memref<8000xi32, #tpu.memory_space<hbm>>) dst(%arg7 : memref<8000xi32, #tpu.memory_space<vmem>>)
        tpu.yield
      }) : () -> ()
      %scan3A_18 = arith.constant 0 : i32
      %scan3A_19 = arith.constant 0 : i32
      %scan3A_20 = arith.constant 500 : i32
      %scan3A_21 = arith.addi %scan3A_19, %scan3A_20 : i32
      %scan3A_22 = arith.constant 1 : i32
      %scan3A_23 = scf.for %scan3A_77 = %scan3A_19 to %scan3A_21 step %scan3A_22 iter_args(%scan3A_78 = %scan3A_18) -> (i32)  : i32 {
        %mul3A_79 = arith.constant 16 : i32
        %mul3A_80 = arith.muli %scan3A_77, %mul3A_79 : i32
        %get3A = arith.index_cast %mul3A_80 : i32 to index
        %get3A_81 = tpu.vector_load %arg6[%get3A] {strides = array<i32>} : memref<8000xi32, #tpu.memory_space<vmem>>, vector<16xi32>,
        %mul3A_82 = arith.constant 16 : i32
        %mul3A_83 = arith.muli %scan3A_77, %mul3A_82 : i32
        %get3A_84 = arith.index_cast %mul3A_83 : i32 to index
        %get3A_85 = tpu.vector_load %arg7[%get3A_84] {strides = array<i32>} : memref<8000xi32, #tpu.memory_space<vmem>>, vector<16xi32>,
        %sub3A_86 = vector.broadcast %mul3A_2 : i32 to vector<16xi32>
        %sub3A_87 = arith.subi %get3A_81, %sub3A_86 : vector<16xi32>
        %ge3A = arith.constant 0 : i32
        %ge3A_88 = vector.broadcast %ge3A : i32 to vector<16xi32>
        %ge3A_89 = arith.cmpi sge, %sub3A_87, %ge3A_88 : vector<16xi32>
        %lt3A = arith.constant 320 : i32
        %lt3A_90 = vector.broadcast %lt3A : i32 to vector<16xi32>
        %lt3A_91 = arith.cmpi slt, %sub3A_87, %lt3A_90 : vector<16xi32>
        %and3A_92 = arith.andi %ge3A_89, %lt3A_91 : vector<16xi1>
        %swap3A_93 = arith.index_cast %scan3A_78 : i32 to index
        %swap3A_94 = tpu.vector_load %arg8[%swap3A_93] masked %and3A_92 {strides = array<i32>} : memref<8080xi32, #tpu.memory_space<vmem>>, vector<16xi32>, vector<16xi1>
        tpu.vector_store %arg8[%swap3A_93], %sub3A_87 masked %and3A_92 {strides = array<i32>} : memref<8080xi32, #tpu.memory_space<vmem>>, vector<16xi32>, vector<16xi1>
        %swap3A_95 = arith.index_cast %scan3A_78 : i32 to index
        %swap3A_96 = tpu.vector_load %arg9[%swap3A_95] masked %and3A_92 {strides = array<i32>} : memref<8080xi32, #tpu.memory_space<vmem>>, vector<16xi32>, vector<16xi1>
        tpu.vector_store %arg9[%swap3A_95], %get3A_85 masked %and3A_92 {strides = array<i32>} : memref<8080xi32, #tpu.memory_space<vmem>>, vector<16xi32>, vector<16xi1>
        %all_reduce_population_count3A = tpu.all_reduce %and3A_92 {dim = 0 : i64, kind = #tpu.reduction_kind<sum>} : vector<16xi1> -> vector<16xi32>
        %slice3A = vector.extract_strided_slice %all_reduce_population_count3A {offsets = [0], sizes = [1], strides = [1]} : vector<16xi32> to vector<1xi32>
        %squeeze3A = vector.extract %slice3A[0] : i32 from vector<1xi32>
        %add3A_97 = arith.addi %scan3A_78, %squeeze3A : i32
        scf.yield %add3A_97 : i32
      }
      %scan3A_24 = arith.constant 500 : i32
      %broadcast_in_dim3A_25 = arith.constant 0 : i32
      %broadcast_in_dim3A_26 = vector.broadcast %broadcast_in_dim3A_25 : i32 to vector<16xi32>
      %add3A_27 = arith.constant 0 : i32
      %add3A_28 = arith.addi %scan3A_23, %add3A_27 : i32
      %swap3A = arith.index_cast %add3A_28 : i32 to index
      %swap3A_29 = tpu.vector_load %arg9[%swap3A] {strides = array<i32>} : memref<8080xi32, #tpu.memory_space<vmem>>, vector<16xi32>,
      tpu.vector_store %arg9[%swap3A], %broadcast_in_dim3A_26 {strides = array<i32>} : memref<8080xi32, #tpu.memory_space<vmem>>, vector<16xi32>,
      %add3A_30 = arith.constant 16 : i32
      %add3A_31 = arith.addi %scan3A_23, %add3A_30 : i32
      %swap3A_32 = arith.index_cast %add3A_31 : i32 to index
      %swap3A_33 = tpu.vector_load %arg9[%swap3A_32] {strides = array<i32>} : memref<8080xi32, #tpu.memory_space<vmem>>, vector<16xi32>,
      tpu.vector_store %arg9[%swap3A_32], %broadcast_in_dim3A_26 {strides = array<i32>} : memref<8080xi32, #tpu.memory_space<vmem>>, vector<16xi32>,
      %add3A_34 = arith.constant 32 : i32
      %add3A_35 = arith.addi %scan3A_23, %add3A_34 : i32
      %swap3A_36 = arith.index_cast %add3A_35 : i32 to index
      %swap3A_37 = tpu.vector_load %arg9[%swap3A_36] {strides = array<i32>} : memref<8080xi32, #tpu.memory_space<vmem>>, vector<16xi32>,
      tpu.vector_store %arg9[%swap3A_36], %broadcast_in_dim3A_26 {strides = array<i32>} : memref<8080xi32, #tpu.memory_space<vmem>>, vector<16xi32>,
      %add3A_38 = arith.constant 48 : i32
      %add3A_39 = arith.addi %scan3A_23, %add3A_38 : i32
      %swap3A_40 = arith.index_cast %add3A_39 : i32 to index
      %swap3A_41 = tpu.vector_load %arg9[%swap3A_40] {strides = array<i32>} : memref<8080xi32, #tpu.memory_space<vmem>>, vector<16xi32>,
      tpu.vector_store %arg9[%swap3A_40], %broadcast_in_dim3A_26 {strides = array<i32>} : memref<8080xi32, #tpu.memory_space<vmem>>, vector<16xi32>,
      %add3A_42 = arith.constant 64 : i32
      %add3A_43 = arith.addi %scan3A_23, %add3A_42 : i32
      %swap3A_44 = arith.index_cast %add3A_43 : i32 to index
      %swap3A_45 = tpu.vector_load %arg9[%swap3A_44] {strides = array<i32>} : memref<8080xi32, #tpu.memory_space<vmem>>, vector<16xi32>,
      tpu.vector_store %arg9[%swap3A_44], %broadcast_in_dim3A_26 {strides = array<i32>} : memref<8080xi32, #tpu.memory_space<vmem>>, vector<16xi32>,
      %add3A_46 = arith.constant 80 : i32
      %add3A_47 = arith.addi %scan3A_23, %add3A_46 : i32
      %sub3A = arith.constant 1 : i32
      %sub3A_48 = arith.subi %add3A_47, %sub3A : i32
      %jit3A = arith.constant 80 : i32
      %div3A = arith.divsi %sub3A_48, %jit3A : i32
      %sign3A = arith.constant 0 : i32
      %sign3A_49 = arith.cmpi sgt, %sub3A_48, %sign3A : i32
      %sign3A_50 = arith.extui %sign3A_49 : i1 to i32
      %sign3A_51 = arith.constant 0 : i32
      %sign3A_52 = arith.cmpi slt, %sub3A_48, %sign3A_51 : i32
      %sign3A_53 = arith.extui %sign3A_52 : i1 to i32
      %sign3A_54 = arith.subi %sign3A_50, %sign3A_53 : i32
      %sign3A_55 = arith.constant 0 : i32
      %sign3A_56 = arith.cmpi sgt, %jit3A, %sign3A_55 : i32
      %sign3A_57 = arith.extui %sign3A_56 : i1 to i32
      %sign3A_58 = arith.constant 0 : i32
      %sign3A_59 = arith.cmpi slt, %jit3A, %sign3A_58 : i32
      %sign3A_60 = arith.extui %sign3A_59 : i1 to i32
      %sign3A_61 = arith.subi %sign3A_57, %sign3A_60 : i32
      %ne3A = arith.cmpi ne, %sign3A_54, %sign3A_61 : i32
      %rem3A = arith.remsi %sub3A_48, %jit3A : i32
      %ne3A_62 = arith.constant 0 : i32
      %ne3A_63 = arith.cmpi ne, %rem3A, %ne3A_62 : i32
      %and3A = arith.andi %ne3A, %ne3A_63 : i1
      %sub3A_64 = arith.constant 1 : i32
      %sub3A_65 = arith.subi %div3A, %sub3A_64 : i32
      %select_n3A = arith.select %and3A, %sub3A_65, %div3A : i32
      %gt3A = arith.constant 0 : i32
      %gt3A_66 = arith.cmpi sgt, %select_n3A, %gt3A : i32
      %convert_element_type3A = arith.extui %gt3A_66 : i1 to i32
      %cond3A = arith.constant 0 : i32
      %cond3A_67 = arith.cmpi ne, %convert_element_type3A, %cond3A : i32
      scf.if %cond3A_67 {
        %dma_start3A = arith.constant 0 : i32
        %dma_start3A_77 = arith.constant 0 : i32
        %dma_start3A_78 = arith.constant 0 : i32
        %dma_start3A_79 = arith.constant 0 : i32
        %dma_start3A_80 = tpu.memref_slice %arg10[%dma_start3A, %dma_start3A_78, %dma_start3A_79] : memref<2x80x128xf32, #tpu.memory_space<vmem>> -> memref<1x80x128xf32, #tpu.memory_space<vmem>>
        %dma_start3A_81 = tpu.memref_squeeze %dma_start3A_80 : memref<1x80x128xf32, #tpu.memory_space<vmem>> -> memref<80x128xf32, #tpu.memory_space<vmem>>
        %dma_start3A_82 = arith.constant 0 : i32
        %dma_start3A_83 = tpu.memref_slice %arg9[%dma_start3A_82] : memref<8080xi32, #tpu.memory_space<vmem>> -> memref<80xi32, #tpu.memory_space<vmem>>
        %dma_start3A_84 = arith.constant 0 : i32
        %dma_start3A_85 = arith.constant 0 : i32
        %dma_start3A_86 = tpu.memref_slice %arg4[%dma_start3A_84, %dma_start3A_85] : memref<10000x128xf32, #tpu.memory_space<hbm>> -> memref<10000x128xf32, #tpu.memory_space<hbm>>
        %dma_start3A_87 = tpu.memref_slice %arg12[%dma_start3A_77] : memref<2x!tpu.dma_semaphore, #tpu.memory_space<semaphore_mem>> -> memref<1x!tpu.dma_semaphore, #tpu.memory_space<semaphore_mem>>
        %dma_start3A_88 = tpu.memref_squeeze %dma_start3A_87 : memref<1x!tpu.dma_semaphore, #tpu.memory_space<semaphore_mem>> -> memref<!tpu.dma_semaphore, #tpu.memory_space<semaphore_mem>>
        tpu.enqueue_indirect_dma source(%dma_start3A_86 : memref<10000x128xf32, #tpu.memory_space<hbm>>) target(%dma_start3A_81 : memref<80x128xf32, #tpu.memory_space<vmem>>) offsets(%dma_start3A_83 : memref<80xi32, #tpu.memory_space<vmem>>) semaphore(%dma_start3A_88 : memref<!tpu.dma_semaphore, #tpu.memory_space<semaphore_mem>>)
      } else {
      }
      %while3A = arith.constant 0 : i32
      %while3A_68 = arith.constant 0 : i32
      %while3A_69 = arith.subi %select_n3A, %while3A_68 : i32
      %while3A_70 = arith.addi %while3A_68, %while3A_69 : i32
      %while3A_71 = arith.constant 1 : i32
      %while3A_72 = arith.divsi %while3A_69, %while3A_71 : i32
      %while3A_73 = arith.muli %while3A_72, %while3A_71 : i32
      %while3A_74 = arith.addi %while3A_68, %while3A_73 : i32
      %while3A_75 = arith.constant 1 : i32
      scf.for %while3A_77 = %while3A_68 to %while3A_74 step %while3A_75  : i32 {
        %and3A_78 = arith.constant 1 : i32
        %and3A_79 = arith.andi %while3A_77, %and3A_78 : i32
        %mul3A_80 = arith.constant 80 : i32
        %mul3A_81 = arith.muli %while3A_77, %mul3A_80 : i32
        %dma_wait3A = arith.constant 0 : i32
        %dma_wait3A_82 = arith.constant 0 : i32
        %dma_wait3A_83 = tpu.memref_slice %arg10[%and3A_79, %dma_wait3A, %dma_wait3A_82] : memref<2x80x128xf32, #tpu.memory_space<vmem>> -> memref<1x80x128xf32, #tpu.memory_space<vmem>>
        %dma_wait3A_84 = tpu.memref_squeeze %dma_wait3A_83 : memref<1x80x128xf32, #tpu.memory_space<vmem>> -> memref<80x128xf32, #tpu.memory_space<vmem>>
        %dma_wait3A_85 = tpu.memref_slice %arg9[%mul3A_81] : memref<8080xi32, #tpu.memory_space<vmem>> -> memref<80xi32, #tpu.memory_space<vmem>>
        %dma_wait3A_86 = arith.constant 0 : i32
        %dma_wait3A_87 = arith.constant 0 : i32
        %dma_wait3A_88 = tpu.memref_slice %arg4[%dma_wait3A_86, %dma_wait3A_87] : memref<10000x128xf32, #tpu.memory_space<hbm>> -> memref<10000x128xf32, #tpu.memory_space<hbm>>
        %dma_wait3A_89 = tpu.memref_slice %arg12[%and3A_79] : memref<2x!tpu.dma_semaphore, #tpu.memory_space<semaphore_mem>> -> memref<1x!tpu.dma_semaphore, #tpu.memory_space<semaphore_mem>>
        %dma_wait3A_90 = tpu.memref_squeeze %dma_wait3A_89 : memref<1x!tpu.dma_semaphore, #tpu.memory_space<semaphore_mem>> -> memref<!tpu.dma_semaphore, #tpu.memory_space<semaphore_mem>>
        tpu.wait_indirect_dma semaphore(%dma_wait3A_90 : memref<!tpu.dma_semaphore, #tpu.memory_space<semaphore_mem>>) src(%dma_wait3A_88 : memref<10000x128xf32, #tpu.memory_space<hbm>>) dst(%dma_wait3A_84 : memref<80x128xf32, #tpu.memory_space<vmem>>)
        %add3A_91 = arith.constant 1 : i32
        %add3A_92 = arith.addi %while3A_77, %add3A_91 : i32
        %lt3A = arith.cmpi slt, %add3A_92, %select_n3A : i32
        %convert_element_type3A_93 = arith.extui %lt3A : i1 to i32
        %cond3A_94 = arith.constant 0 : i32
        %cond3A_95 = arith.cmpi ne, %convert_element_type3A_93, %cond3A_94 : i32
        scf.if %cond3A_95 {
          %sub3A_110 = arith.constant 1 : i32
          %sub3A_111 = arith.subi %sub3A_110, %and3A_79 : i32
          %add3A_112 = arith.constant 1 : i32
          %add3A_113 = arith.addi %while3A_77, %add3A_112 : i32
          %mul3A_114 = arith.constant 80 : i32
          %mul3A_115 = arith.muli %add3A_113, %mul3A_114 : i32
          %dma_start3A = arith.constant 0 : i32
          %dma_start3A_116 = arith.constant 0 : i32
          %dma_start3A_117 = tpu.memref_slice %arg10[%sub3A_111, %dma_start3A, %dma_start3A_116] : memref<2x80x128xf32, #tpu.memory_space<vmem>> -> memref<1x80x128xf32, #tpu.memory_space<vmem>>
          %dma_start3A_118 = tpu.memref_squeeze %dma_start3A_117 : memref<1x80x128xf32, #tpu.memory_space<vmem>> -> memref<80x128xf32, #tpu.memory_space<vmem>>
          %dma_start3A_119 = tpu.memref_slice %arg9[%mul3A_115] : memref<8080xi32, #tpu.memory_space<vmem>> -> memref<80xi32, #tpu.memory_space<vmem>>
          %dma_start3A_120 = arith.constant 0 : i32
          %dma_start3A_121 = arith.constant 0 : i32
          %dma_start3A_122 = tpu.memref_slice %arg4[%dma_start3A_120, %dma_start3A_121] : memref<10000x128xf32, #tpu.memory_space<hbm>> -> memref<10000x128xf32, #tpu.memory_space<hbm>>
          %dma_start3A_123 = tpu.memref_slice %arg12[%sub3A_111] : memref<2x!tpu.dma_semaphore, #tpu.memory_space<semaphore_mem>> -> memref<1x!tpu.dma_semaphore, #tpu.memory_space<semaphore_mem>>
          %dma_start3A_124 = tpu.memref_squeeze %dma_start3A_123 : memref<1x!tpu.dma_semaphore, #tpu.memory_space<semaphore_mem>> -> memref<!tpu.dma_semaphore, #tpu.memory_space<semaphore_mem>>
          tpu.enqueue_indirect_dma source(%dma_start3A_122 : memref<10000x128xf32, #tpu.memory_space<hbm>>) target(%dma_start3A_118 : memref<80x128xf32, #tpu.memory_space<vmem>>) offsets(%dma_start3A_119 : memref<80xi32, #tpu.memory_space<vmem>>) semaphore(%dma_start3A_124 : memref<!tpu.dma_semaphore, #tpu.memory_space<semaphore_mem>>)
        } else {
        }
        %mul3A_96 = arith.constant 80 : i32
        %mul3A_97 = arith.muli %while3A_77, %mul3A_96 : i32
        %sub3A_98 = arith.subi %scan3A_23, %mul3A_97 : i32
        %min3A = arith.constant 80 : i32
        %min3A_99 = arith.minsi %min3A, %sub3A_98 : i32
        %while3A_100 = arith.constant 0 : i32
        %while3A_101 = arith.constant 0 : i32
        %while3A_102 = arith.subi %min3A_99, %while3A_101 : i32
        %while3A_103 = arith.addi %while3A_101, %while3A_102 : i32
        %while3A_104 = arith.constant 1 : i32
        %while3A_105 = arith.divsi %while3A_102, %while3A_104 : i32
        %while3A_106 = arith.muli %while3A_105, %while3A_104 : i32
        %while3A_107 = arith.addi %while3A_101, %while3A_106 : i32
        %while3A_108 = arith.constant 1 : i32
        scf.for %while3A_110 = %while3A_101 to %while3A_107 step %while3A_108  : i32 {
          %mul3A_111 = arith.constant 80 : i32
          %mul3A_112 = arith.muli %while3A_77, %mul3A_111 : i32
          %add3A_113 = arith.addi %mul3A_112, %while3A_110 : i32
          %get3A = arith.index_cast %add3A_113 : i32 to index
          %get3A_114 = tpu.vector_load %arg8[%get3A] {strides = array<i32>} : memref<8080xi32, #tpu.memory_space<vmem>>, vector<16xi32>,
          %slice3A = vector.extract_strided_slice %get3A_114 {offsets = [0], sizes = [1], strides = [1]} : vector<16xi32> to vector<1xi32>
          %squeeze3A = vector.extract %slice3A[0] : i32 from vector<1xi32>
          %get3A_115 = arith.index_cast %and3A_79 : i32 to index
          %get3A_116 = arith.index_cast %while3A_110 : i32 to index
          %get3A_117 = arith.constant 0 : index
          %get3A_118 = tpu.vector_load %arg10[%get3A_115, %get3A_116, %get3A_117] {strides = array<i32>} : memref<2x80x128xf32, #tpu.memory_space<vmem>>, vector<16xf32>,
          %get3A_119 = arith.index_cast %and3A_79 : i32 to index
          %get3A_120 = arith.index_cast %while3A_110 : i32 to index
          %get3A_121 = arith.constant 16 : index
          %get3A_122 = tpu.vector_load %arg10[%get3A_119, %get3A_120, %get3A_121] {strides = array<i32>} : memref<2x80x128xf32, #tpu.memory_space<vmem>>, vector<16xf32>,
          %get3A_123 = arith.index_cast %and3A_79 : i32 to index
          %get3A_124 = arith.index_cast %while3A_110 : i32 to index
          %get3A_125 = arith.constant 32 : index
          %get3A_126 = tpu.vector_load %arg10[%get3A_123, %get3A_124, %get3A_125] {strides = array<i32>} : memref<2x80x128xf32, #tpu.memory_space<vmem>>, vector<16xf32>,
          %get3A_127 = arith.index_cast %and3A_79 : i32 to index
          %get3A_128 = arith.index_cast %while3A_110 : i32 to index
          %get3A_129 = arith.constant 48 : index
          %get3A_130 = tpu.vector_load %arg10[%get3A_127, %get3A_128, %get3A_129] {strides = array<i32>} : memref<2x80x128xf32, #tpu.memory_space<vmem>>, vector<16xf32>,
          %get3A_131 = arith.index_cast %and3A_79 : i32 to index
          %get3A_132 = arith.index_cast %while3A_110 : i32 to index
          %get3A_133 = arith.constant 64 : index
          %get3A_134 = tpu.vector_load %arg10[%get3A_131, %get3A_132, %get3A_133] {strides = array<i32>} : memref<2x80x128xf32, #tpu.memory_space<vmem>>, vector<16xf32>,
          %get3A_135 = arith.index_cast %and3A_79 : i32 to index
          %get3A_136 = arith.index_cast %while3A_110 : i32 to index
          %get3A_137 = arith.constant 80 : index
          %get3A_138 = tpu.vector_load %arg10[%get3A_135, %get3A_136, %get3A_137] {strides = array<i32>} : memref<2x80x128xf32, #tpu.memory_space<vmem>>, vector<16xf32>,
          %get3A_139 = arith.index_cast %and3A_79 : i32 to index
          %get3A_140 = arith.index_cast %while3A_110 : i32 to index
          %get3A_141 = arith.constant 96 : index
          %get3A_142 = tpu.vector_load %arg10[%get3A_139, %get3A_140, %get3A_141] {strides = array<i32>} : memref<2x80x128xf32, #tpu.memory_space<vmem>>, vector<16xf32>,
          %get3A_143 = arith.index_cast %and3A_79 : i32 to index
          %get3A_144 = arith.index_cast %while3A_110 : i32 to index
          %get3A_145 = arith.constant 112 : index
          %get3A_146 = tpu.vector_load %arg10[%get3A_143, %get3A_144, %get3A_145] {strides = array<i32>} : memref<2x80x128xf32, #tpu.memory_space<vmem>>, vector<16xf32>,
          %get3A_147 = arith.index_cast %squeeze3A : i32 to index
          %get3A_148 = arith.constant 0 : index
          %get3A_149 = tpu.vector_load %arg11[%get3A_147, %get3A_148] {strides = array<i32>} : memref<320x128xf32, #tpu.memory_space<vmem>>, vector<16xf32>,
          %get3A_150 = arith.index_cast %squeeze3A : i32 to index
          %get3A_151 = arith.constant 16 : index
          %get3A_152 = tpu.vector_load %arg11[%get3A_150, %get3A_151] {strides = array<i32>} : memref<320x128xf32, #tpu.memory_space<vmem>>, vector<16xf32>,
          %get3A_153 = arith.index_cast %squeeze3A : i32 to index
          %get3A_154 = arith.constant 32 : index
          %get3A_155 = tpu.vector_load %arg11[%get3A_153, %get3A_154] {strides = array<i32>} : memref<320x128xf32, #tpu.memory_space<vmem>>, vector<16xf32>,
          %get3A_156 = arith.index_cast %squeeze3A : i32 to index
          %get3A_157 = arith.constant 48 : index
          %get3A_158 = tpu.vector_load %arg11[%get3A_156, %get3A_157] {strides = array<i32>} : memref<320x128xf32, #tpu.memory_space<vmem>>, vector<16xf32>,
          %get3A_159 = arith.index_cast %squeeze3A : i32 to index
          %get3A_160 = arith.constant 64 : index
          %get3A_161 = tpu.vector_load %arg11[%get3A_159, %get3A_160] {strides = array<i32>} : memref<320x128xf32, #tpu.memory_space<vmem>>, vector<16xf32>,
          %get3A_162 = arith.index_cast %squeeze3A : i32 to index
          %get3A_163 = arith.constant 80 : index
          %get3A_164 = tpu.vector_load %arg11[%get3A_162, %get3A_163] {strides = array<i32>} : memref<320x128xf32, #tpu.memory_space<vmem>>, vector<16xf32>,
          %get3A_165 = arith.index_cast %squeeze3A : i32 to index
          %get3A_166 = arith.constant 96 : index
          %get3A_167 = tpu.vector_load %arg11[%get3A_165, %get3A_166] {strides = array<i32>} : memref<320x128xf32, #tpu.memory_space<vmem>>, vector<16xf32>,
          %get3A_168 = arith.index_cast %squeeze3A : i32 to index
          %get3A_169 = arith.constant 112 : index
          %get3A_170 = tpu.vector_load %arg11[%get3A_168, %get3A_169] {strides = array<i32>} : memref<320x128xf32, #tpu.memory_space<vmem>>, vector<16xf32>,
          %add3A_171 = arith.addf %get3A_149, %get3A_118 : vector<16xf32>
          %swap3A_172 = arith.index_cast %squeeze3A : i32 to index
          %swap3A_173 = arith.constant 0 : index
          %swap3A_174 = tpu.vector_load %arg11[%swap3A_172, %swap3A_173] {strides = array<i32>} : memref<320x128xf32, #tpu.memory_space<vmem>>, vector<16xf32>,
          tpu.vector_store %arg11[%swap3A_172, %swap3A_173], %add3A_171 {strides = array<i32>} : memref<320x128xf32, #tpu.memory_space<vmem>>, vector<16xf32>,
          %add3A_175 = arith.addf %get3A_152, %get3A_122 : vector<16xf32>
          %swap3A_176 = arith.index_cast %squeeze3A : i32 to index
          %swap3A_177 = arith.constant 16 : index
          %swap3A_178 = tpu.vector_load %arg11[%swap3A_176, %swap3A_177] {strides = array<i32>} : memref<320x128xf32, #tpu.memory_space<vmem>>, vector<16xf32>,
          tpu.vector_store %arg11[%swap3A_176, %swap3A_177], %add3A_175 {strides = array<i32>} : memref<320x128xf32, #tpu.memory_space<vmem>>, vector<16xf32>,
          %add3A_179 = arith.addf %get3A_155, %get3A_126 : vector<16xf32>
          %swap3A_180 = arith.index_cast %squeeze3A : i32 to index
          %swap3A_181 = arith.constant 32 : index
          %swap3A_182 = tpu.vector_load %arg11[%swap3A_180, %swap3A_181] {strides = array<i32>} : memref<320x128xf32, #tpu.memory_space<vmem>>, vector<16xf32>,
          tpu.vector_store %arg11[%swap3A_180, %swap3A_181], %add3A_179 {strides = array<i32>} : memref<320x128xf32, #tpu.memory_space<vmem>>, vector<16xf32>,
          %add3A_183 = arith.addf %get3A_158, %get3A_130 : vector<16xf32>
          %swap3A_184 = arith.index_cast %squeeze3A : i32 to index
          %swap3A_185 = arith.constant 48 : index
          %swap3A_186 = tpu.vector_load %arg11[%swap3A_184, %swap3A_185] {strides = array<i32>} : memref<320x128xf32, #tpu.memory_space<vmem>>, vector<16xf32>,
          tpu.vector_store %arg11[%swap3A_184, %swap3A_185], %add3A_183 {strides = array<i32>} : memref<320x128xf32, #tpu.memory_space<vmem>>, vector<16xf32>,
          %add3A_187 = arith.addf %get3A_161, %get3A_134 : vector<16xf32>
          %swap3A_188 = arith.index_cast %squeeze3A : i32 to index
          %swap3A_189 = arith.constant 64 : index
          %swap3A_190 = tpu.vector_load %arg11[%swap3A_188, %swap3A_189] {strides = array<i32>} : memref<320x128xf32, #tpu.memory_space<vmem>>, vector<16xf32>,
          tpu.vector_store %arg11[%swap3A_188, %swap3A_189], %add3A_187 {strides = array<i32>} : memref<320x128xf32, #tpu.memory_space<vmem>>, vector<16xf32>,
          %add3A_191 = arith.addf %get3A_164, %get3A_138 : vector<16xf32>
          %swap3A_192 = arith.index_cast %squeeze3A : i32 to index
          %swap3A_193 = arith.constant 80 : index
          %swap3A_194 = tpu.vector_load %arg11[%swap3A_192, %swap3A_193] {strides = array<i32>} : memref<320x128xf32, #tpu.memory_space<vmem>>, vector<16xf32>,
          tpu.vector_store %arg11[%swap3A_192, %swap3A_193], %add3A_191 {strides = array<i32>} : memref<320x128xf32, #tpu.memory_space<vmem>>, vector<16xf32>,
          %add3A_195 = arith.addf %get3A_167, %get3A_142 : vector<16xf32>
          %swap3A_196 = arith.index_cast %squeeze3A : i32 to index
          %swap3A_197 = arith.constant 96 : index
          %swap3A_198 = tpu.vector_load %arg11[%swap3A_196, %swap3A_197] {strides = array<i32>} : memref<320x128xf32, #tpu.memory_space<vmem>>, vector<16xf32>,
          tpu.vector_store %arg11[%swap3A_196, %swap3A_197], %add3A_195 {strides = array<i32>} : memref<320x128xf32, #tpu.memory_space<vmem>>, vector<16xf32>,
          %add3A_199 = arith.addf %get3A_170, %get3A_146 : vector<16xf32>
          %swap3A_200 = arith.index_cast %squeeze3A : i32 to index
          %swap3A_201 = arith.constant 112 : index
          %swap3A_202 = tpu.vector_load %arg11[%swap3A_200, %swap3A_201] {strides = array<i32>} : memref<320x128xf32, #tpu.memory_space<vmem>>, vector<16xf32>,
          tpu.vector_store %arg11[%swap3A_200, %swap3A_201], %add3A_199 {strides = array<i32>} : memref<320x128xf32, #tpu.memory_space<vmem>>, vector<16xf32>,
        }
        %while3A_109 = arith.constant 1 : i32
        scf.for %while3A_110 = %while3A_107 to %while3A_103 step %while3A_109  : i32 {
          %mul3A_111 = arith.constant 80 : i32
          %mul3A_112 = arith.muli %while3A_77, %mul3A_111 : i32
          %add3A_113 = arith.addi %mul3A_112, %while3A_110 : i32
          %get3A = arith.index_cast %add3A_113 : i32 to index
          %get3A_114 = tpu.vector_load %arg8[%get3A] {strides = array<i32>} : memref<8080xi32, #tpu.memory_space<vmem>>, vector<16xi32>,
          %slice3A = vector.extract_strided_slice %get3A_114 {offsets = [0], sizes = [1], strides = [1]} : vector<16xi32> to vector<1xi32>
          %squeeze3A = vector.extract %slice3A[0] : i32 from vector<1xi32>
          %get3A_115 = arith.index_cast %and3A_79 : i32 to index
          %get3A_116 = arith.index_cast %while3A_110 : i32 to index
          %get3A_117 = arith.constant 0 : index
          %get3A_118 = tpu.vector_load %arg10[%get3A_115, %get3A_116, %get3A_117] {strides = array<i32>} : memref<2x80x128xf32, #tpu.memory_space<vmem>>, vector<16xf32>,
          %get3A_119 = arith.index_cast %and3A_79 : i32 to index
          %get3A_120 = arith.index_cast %while3A_110 : i32 to index
          %get3A_121 = arith.constant 16 : index
          %get3A_122 = tpu.vector_load %arg10[%get3A_119, %get3A_120, %get3A_121] {strides = array<i32>} : memref<2x80x128xf32, #tpu.memory_space<vmem>>, vector<16xf32>,
          %get3A_123 = arith.index_cast %and3A_79 : i32 to index
          %get3A_124 = arith.index_cast %while3A_110 : i32 to index
          %get3A_125 = arith.constant 32 : index
          %get3A_126 = tpu.vector_load %arg10[%get3A_123, %get3A_124, %get3A_125] {strides = array<i32>} : memref<2x80x128xf32, #tpu.memory_space<vmem>>, vector<16xf32>,
          %get3A_127 = arith.index_cast %and3A_79 : i32 to index
          %get3A_128 = arith.index_cast %while3A_110 : i32 to index
          %get3A_129 = arith.constant 48 : index
          %get3A_130 = tpu.vector_load %arg10[%get3A_127, %get3A_128, %get3A_129] {strides = array<i32>} : memref<2x80x128xf32, #tpu.memory_space<vmem>>, vector<16xf32>,
          %get3A_131 = arith.index_cast %and3A_79 : i32 to index
          %get3A_132 = arith.index_cast %while3A_110 : i32 to index
          %get3A_133 = arith.constant 64 : index
          %get3A_134 = tpu.vector_load %arg10[%get3A_131, %get3A_132, %get3A_133] {strides = array<i32>} : memref<2x80x128xf32, #tpu.memory_space<vmem>>, vector<16xf32>,
          %get3A_135 = arith.index_cast %and3A_79 : i32 to index
          %get3A_136 = arith.index_cast %while3A_110 : i32 to index
          %get3A_137 = arith.constant 80 : index
          %get3A_138 = tpu.vector_load %arg10[%get3A_135, %get3A_136, %get3A_137] {strides = array<i32>} : memref<2x80x128xf32, #tpu.memory_space<vmem>>, vector<16xf32>,
          %get3A_139 = arith.index_cast %and3A_79 : i32 to index
          %get3A_140 = arith.index_cast %while3A_110 : i32 to index
          %get3A_141 = arith.constant 96 : index
          %get3A_142 = tpu.vector_load %arg10[%get3A_139, %get3A_140, %get3A_141] {strides = array<i32>} : memref<2x80x128xf32, #tpu.memory_space<vmem>>, vector<16xf32>,
          %get3A_143 = arith.index_cast %and3A_79 : i32 to index
          %get3A_144 = arith.index_cast %while3A_110 : i32 to index
          %get3A_145 = arith.constant 112 : index
          %get3A_146 = tpu.vector_load %arg10[%get3A_143, %get3A_144, %get3A_145] {strides = array<i32>} : memref<2x80x128xf32, #tpu.memory_space<vmem>>, vector<16xf32>,
          %get3A_147 = arith.index_cast %squeeze3A : i32 to index
          %get3A_148 = arith.constant 0 : index
          %get3A_149 = tpu.vector_load %arg11[%get3A_147, %get3A_148] {strides = array<i32>} : memref<320x128xf32, #tpu.memory_space<vmem>>, vector<16xf32>,
          %get3A_150 = arith.index_cast %squeeze3A : i32 to index
          %get3A_151 = arith.constant 16 : index
          %get3A_152 = tpu.vector_load %arg11[%get3A_150, %get3A_151] {strides = array<i32>} : memref<320x128xf32, #tpu.memory_space<vmem>>, vector<16xf32>,
          %get3A_153 = arith.index_cast %squeeze3A : i32 to index
          %get3A_154 = arith.constant 32 : index
          %get3A_155 = tpu.vector_load %arg11[%get3A_153, %get3A_154] {strides = array<i32>} : memref<320x128xf32, #tpu.memory_space<vmem>>, vector<16xf32>,
          %get3A_156 = arith.index_cast %squeeze3A : i32 to index
          %get3A_157 = arith.constant 48 : index
          %get3A_158 = tpu.vector_load %arg11[%get3A_156, %get3A_157] {strides = array<i32>} : memref<320x128xf32, #tpu.memory_space<vmem>>, vector<16xf32>,
          %get3A_159 = arith.index_cast %squeeze3A : i32 to index
          %get3A_160 = arith.constant 64 : index
          %get3A_161 = tpu.vector_load %arg11[%get3A_159, %get3A_160] {strides = array<i32>} : memref<320x128xf32, #tpu.memory_space<vmem>>, vector<16xf32>,
          %get3A_162 = arith.index_cast %squeeze3A : i32 to index
          %get3A_163 = arith.constant 80 : index
          %get3A_164 = tpu.vector_load %arg11[%get3A_162, %get3A_163] {strides = array<i32>} : memref<320x128xf32, #tpu.memory_space<vmem>>, vector<16xf32>,
          %get3A_165 = arith.index_cast %squeeze3A : i32 to index
          %get3A_166 = arith.constant 96 : index
          %get3A_167 = tpu.vector_load %arg11[%get3A_165, %get3A_166] {strides = array<i32>} : memref<320x128xf32, #tpu.memory_space<vmem>>, vector<16xf32>,
          %get3A_168 = arith.index_cast %squeeze3A : i32 to index
          %get3A_169 = arith.constant 112 : index
          %get3A_170 = tpu.vector_load %arg11[%get3A_168, %get3A_169] {strides = array<i32>} : memref<320x128xf32, #tpu.memory_space<vmem>>, vector<16xf32>,
          %add3A_171 = arith.addf %get3A_149, %get3A_118 : vector<16xf32>
          %swap3A_172 = arith.index_cast %squeeze3A : i32 to index
          %swap3A_173 = arith.constant 0 : index
          %swap3A_174 = tpu.vector_load %arg11[%swap3A_172, %swap3A_173] {strides = array<i32>} : memref<320x128xf32, #tpu.memory_space<vmem>>, vector<16xf32>,
          tpu.vector_store %arg11[%swap3A_172, %swap3A_173], %add3A_171 {strides = array<i32>} : memref<320x128xf32, #tpu.memory_space<vmem>>, vector<16xf32>,
          %add3A_175 = arith.addf %get3A_152, %get3A_122 : vector<16xf32>
          %swap3A_176 = arith.index_cast %squeeze3A : i32 to index
          %swap3A_177 = arith.constant 16 : index
          %swap3A_178 = tpu.vector_load %arg11[%swap3A_176, %swap3A_177] {strides = array<i32>} : memref<320x128xf32, #tpu.memory_space<vmem>>, vector<16xf32>,
          tpu.vector_store %arg11[%swap3A_176, %swap3A_177], %add3A_175 {strides = array<i32>} : memref<320x128xf32, #tpu.memory_space<vmem>>, vector<16xf32>,
          %add3A_179 = arith.addf %get3A_155, %get3A_126 : vector<16xf32>
          %swap3A_180 = arith.index_cast %squeeze3A : i32 to index
          %swap3A_181 = arith.constant 32 : index
          %swap3A_182 = tpu.vector_load %arg11[%swap3A_180, %swap3A_181] {strides = array<i32>} : memref<320x128xf32, #tpu.memory_space<vmem>>, vector<16xf32>,
          tpu.vector_store %arg11[%swap3A_180, %swap3A_181], %add3A_179 {strides = array<i32>} : memref<320x128xf32, #tpu.memory_space<vmem>>, vector<16xf32>,
          %add3A_183 = arith.addf %get3A_158, %get3A_130 : vector<16xf32>
          %swap3A_184 = arith.index_cast %squeeze3A : i32 to index
          %swap3A_185 = arith.constant 48 : index
          %swap3A_186 = tpu.vector_load %arg11[%swap3A_184, %swap3A_185] {strides = array<i32>} : memref<320x128xf32, #tpu.memory_space<vmem>>, vector<16xf32>,
          tpu.vector_store %arg11[%swap3A_184, %swap3A_185], %add3A_183 {strides = array<i32>} : memref<320x128xf32, #tpu.memory_space<vmem>>, vector<16xf32>,
          %add3A_187 = arith.addf %get3A_161, %get3A_134 : vector<16xf32>
          %swap3A_188 = arith.index_cast %squeeze3A : i32 to index
          %swap3A_189 = arith.constant 64 : index
          %swap3A_190 = tpu.vector_load %arg11[%swap3A_188, %swap3A_189] {strides = array<i32>} : memref<320x128xf32, #tpu.memory_space<vmem>>, vector<16xf32>,
          tpu.vector_store %arg11[%swap3A_188, %swap3A_189], %add3A_187 {strides = array<i32>} : memref<320x128xf32, #tpu.memory_space<vmem>>, vector<16xf32>,
          %add3A_191 = arith.addf %get3A_164, %get3A_138 : vector<16xf32>
          %swap3A_192 = arith.index_cast %squeeze3A : i32 to index
          %swap3A_193 = arith.constant 80 : index
          %swap3A_194 = tpu.vector_load %arg11[%swap3A_192, %swap3A_193] {strides = array<i32>} : memref<320x128xf32, #tpu.memory_space<vmem>>, vector<16xf32>,
          tpu.vector_store %arg11[%swap3A_192, %swap3A_193], %add3A_191 {strides = array<i32>} : memref<320x128xf32, #tpu.memory_space<vmem>>, vector<16xf32>,
          %add3A_195 = arith.addf %get3A_167, %get3A_142 : vector<16xf32>
          %swap3A_196 = arith.index_cast %squeeze3A : i32 to index
          %swap3A_197 = arith.constant 96 : index
          %swap3A_198 = tpu.vector_load %arg11[%swap3A_196, %swap3A_197] {strides = array<i32>} : memref<320x128xf32, #tpu.memory_space<vmem>>, vector<16xf32>,
          tpu.vector_store %arg11[%swap3A_196, %swap3A_197], %add3A_195 {strides = array<i32>} : memref<320x128xf32, #tpu.memory_space<vmem>>, vector<16xf32>,
          %add3A_199 = arith.addf %get3A_170, %get3A_146 : vector<16xf32>
          %swap3A_200 = arith.index_cast %squeeze3A : i32 to index
          %swap3A_201 = arith.constant 112 : index
          %swap3A_202 = tpu.vector_load %arg11[%swap3A_200, %swap3A_201] {strides = array<i32>} : memref<320x128xf32, #tpu.memory_space<vmem>>, vector<16xf32>,
          tpu.vector_store %arg11[%swap3A_200, %swap3A_201], %add3A_199 {strides = array<i32>} : memref<320x128xf32, #tpu.memory_space<vmem>>, vector<16xf32>,
        }
      }
      %while3A_76 = arith.constant 1 : i32
      scf.for %while3A_77 = %while3A_74 to %while3A_70 step %while3A_76  : i32 {
        %and3A_78 = arith.constant 1 : i32
        %and3A_79 = arith.andi %while3A_77, %and3A_78 : i32
        %mul3A_80 = arith.constant 80 : i32
        %mul3A_81 = arith.muli %while3A_77, %mul3A_80 : i32
        %dma_wait3A = arith.constant 0 : i32
        %dma_wait3A_82 = arith.constant 0 : i32
        %dma_wait3A_83 = tpu.memref_slice %arg10[%and3A_79, %dma_wait3A, %dma_wait3A_82] : memref<2x80x128xf32, #tpu.memory_space<vmem>> -> memref<1x80x128xf32, #tpu.memory_space<vmem>>
        %dma_wait3A_84 = tpu.memref_squeeze %dma_wait3A_83 : memref<1x80x128xf32, #tpu.memory_space<vmem>> -> memref<80x128xf32, #tpu.memory_space<vmem>>
        %dma_wait3A_85 = tpu.memref_slice %arg9[%mul3A_81] : memref<8080xi32, #tpu.memory_space<vmem>> -> memref<80xi32, #tpu.memory_space<vmem>>
        %dma_wait3A_86 = arith.constant 0 : i32
        %dma_wait3A_87 = arith.constant 0 : i32
        %dma_wait3A_88 = tpu.memref_slice %arg4[%dma_wait3A_86, %dma_wait3A_87] : memref<10000x128xf32, #tpu.memory_space<hbm>> -> memref<10000x128xf32, #tpu.memory_space<hbm>>
        %dma_wait3A_89 = tpu.memref_slice %arg12[%and3A_79] : memref<2x!tpu.dma_semaphore, #tpu.memory_space<semaphore_mem>> -> memref<1x!tpu.dma_semaphore, #tpu.memory_space<semaphore_mem>>
        %dma_wait3A_90 = tpu.memref_squeeze %dma_wait3A_89 : memref<1x!tpu.dma_semaphore, #tpu.memory_space<semaphore_mem>> -> memref<!tpu.dma_semaphore, #tpu.memory_space<semaphore_mem>>
        tpu.wait_indirect_dma semaphore(%dma_wait3A_90 : memref<!tpu.dma_semaphore, #tpu.memory_space<semaphore_mem>>) src(%dma_wait3A_88 : memref<10000x128xf32, #tpu.memory_space<hbm>>) dst(%dma_wait3A_84 : memref<80x128xf32, #tpu.memory_space<vmem>>)
        %add3A_91 = arith.constant 1 : i32
        %add3A_92 = arith.addi %while3A_77, %add3A_91 : i32
        %lt3A = arith.cmpi slt, %add3A_92, %select_n3A : i32
        %convert_element_type3A_93 = arith.extui %lt3A : i1 to i32
        %cond3A_94 = arith.constant 0 : i32
        %cond3A_95 = arith.cmpi ne, %convert_element_type3A_93, %cond3A_94 : i32
        scf.if %cond3A_95 {
          %sub3A_110 = arith.constant 1 : i32
          %sub3A_111 = arith.subi %sub3A_110, %and3A_79 : i32
          %add3A_112 = arith.constant 1 : i32
          %add3A_113 = arith.addi %while3A_77, %add3A_112 : i32
          %mul3A_114 = arith.constant 80 : i32
          %mul3A_115 = arith.muli %add3A_113, %mul3A_114 : i32
          %dma_start3A = arith.constant 0 : i32
          %dma_start3A_116 = arith.constant 0 : i32
          %dma_start3A_117 = tpu.memref_slice %arg10[%sub3A_111, %dma_start3A, %dma_start3A_116] : memref<2x80x128xf32, #tpu.memory_space<vmem>> -> memref<1x80x128xf32, #tpu.memory_space<vmem>>
          %dma_start3A_118 = tpu.memref_squeeze %dma_start3A_117 : memref<1x80x128xf32, #tpu.memory_space<vmem>> -> memref<80x128xf32, #tpu.memory_space<vmem>>
          %dma_start3A_119 = tpu.memref_slice %arg9[%mul3A_115] : memref<8080xi32, #tpu.memory_space<vmem>> -> memref<80xi32, #tpu.memory_space<vmem>>
          %dma_start3A_120 = arith.constant 0 : i32
          %dma_start3A_121 = arith.constant 0 : i32
          %dma_start3A_122 = tpu.memref_slice %arg4[%dma_start3A_120, %dma_start3A_121] : memref<10000x128xf32, #tpu.memory_space<hbm>> -> memref<10000x128xf32, #tpu.memory_space<hbm>>
          %dma_start3A_123 = tpu.memref_slice %arg12[%sub3A_111] : memref<2x!tpu.dma_semaphore, #tpu.memory_space<semaphore_mem>> -> memref<1x!tpu.dma_semaphore, #tpu.memory_space<semaphore_mem>>
          %dma_start3A_124 = tpu.memref_squeeze %dma_start3A_123 : memref<1x!tpu.dma_semaphore, #tpu.memory_space<semaphore_mem>> -> memref<!tpu.dma_semaphore, #tpu.memory_space<semaphore_mem>>
          tpu.enqueue_indirect_dma source(%dma_start3A_122 : memref<10000x128xf32, #tpu.memory_space<hbm>>) target(%dma_start3A_118 : memref<80x128xf32, #tpu.memory_space<vmem>>) offsets(%dma_start3A_119 : memref<80xi32, #tpu.memory_space<vmem>>) semaphore(%dma_start3A_124 : memref<!tpu.dma_semaphore, #tpu.memory_space<semaphore_mem>>)
        } else {
        }
        %mul3A_96 = arith.constant 80 : i32
        %mul3A_97 = arith.muli %while3A_77, %mul3A_96 : i32
        %sub3A_98 = arith.subi %scan3A_23, %mul3A_97 : i32
        %min3A = arith.constant 80 : i32
        %min3A_99 = arith.minsi %min3A, %sub3A_98 : i32
        %while3A_100 = arith.constant 0 : i32
        %while3A_101 = arith.constant 0 : i32
        %while3A_102 = arith.subi %min3A_99, %while3A_101 : i32
        %while3A_103 = arith.addi %while3A_101, %while3A_102 : i32
        %while3A_104 = arith.constant 1 : i32
        %while3A_105 = arith.divsi %while3A_102, %while3A_104 : i32
        %while3A_106 = arith.muli %while3A_105, %while3A_104 : i32
        %while3A_107 = arith.addi %while3A_101, %while3A_106 : i32
        %while3A_108 = arith.constant 1 : i32
        scf.for %while3A_110 = %while3A_101 to %while3A_107 step %while3A_108  : i32 {
          %mul3A_111 = arith.constant 80 : i32
          %mul3A_112 = arith.muli %while3A_77, %mul3A_111 : i32
          %add3A_113 = arith.addi %mul3A_112, %while3A_110 : i32
          %get3A = arith.index_cast %add3A_113 : i32 to index
          %get3A_114 = tpu.vector_load %arg8[%get3A] {strides = array<i32>} : memref<8080xi32, #tpu.memory_space<vmem>>, vector<16xi32>,
          %slice3A = vector.extract_strided_slice %get3A_114 {offsets = [0], sizes = [1], strides = [1]} : vector<16xi32> to vector<1xi32>
          %squeeze3A = vector.extract %slice3A[0] : i32 from vector<1xi32>
          %get3A_115 = arith.index_cast %and3A_79 : i32 to index
          %get3A_116 = arith.index_cast %while3A_110 : i32 to index
          %get3A_117 = arith.constant 0 : index
          %get3A_118 = tpu.vector_load %arg10[%get3A_115, %get3A_116, %get3A_117] {strides = array<i32>} : memref<2x80x128xf32, #tpu.memory_space<vmem>>, vector<16xf32>,
          %get3A_119 = arith.index_cast %and3A_79 : i32 to index
          %get3A_120 = arith.index_cast %while3A_110 : i32 to index
          %get3A_121 = arith.constant 16 : index
          %get3A_122 = tpu.vector_load %arg10[%get3A_119, %get3A_120, %get3A_121] {strides = array<i32>} : memref<2x80x128xf32, #tpu.memory_space<vmem>>, vector<16xf32>,
          %get3A_123 = arith.index_cast %and3A_79 : i32 to index
          %get3A_124 = arith.index_cast %while3A_110 : i32 to index
          %get3A_125 = arith.constant 32 : index
          %get3A_126 = tpu.vector_load %arg10[%get3A_123, %get3A_124, %get3A_125] {strides = array<i32>} : memref<2x80x128xf32, #tpu.memory_space<vmem>>, vector<16xf32>,
          %get3A_127 = arith.index_cast %and3A_79 : i32 to index
          %get3A_128 = arith.index_cast %while3A_110 : i32 to index
          %get3A_129 = arith.constant 48 : index
          %get3A_130 = tpu.vector_load %arg10[%get3A_127, %get3A_128, %get3A_129] {strides = array<i32>} : memref<2x80x128xf32, #tpu.memory_space<vmem>>, vector<16xf32>,
          %get3A_131 = arith.index_cast %and3A_79 : i32 to index
          %get3A_132 = arith.index_cast %while3A_110 : i32 to index
          %get3A_133 = arith.constant 64 : index
          %get3A_134 = tpu.vector_load %arg10[%get3A_131, %get3A_132, %get3A_133] {strides = array<i32>} : memref<2x80x128xf32, #tpu.memory_space<vmem>>, vector<16xf32>,
          %get3A_135 = arith.index_cast %and3A_79 : i32 to index
          %get3A_136 = arith.index_cast %while3A_110 : i32 to index
          %get3A_137 = arith.constant 80 : index
          %get3A_138 = tpu.vector_load %arg10[%get3A_135, %get3A_136, %get3A_137] {strides = array<i32>} : memref<2x80x128xf32, #tpu.memory_space<vmem>>, vector<16xf32>,
          %get3A_139 = arith.index_cast %and3A_79 : i32 to index
          %get3A_140 = arith.index_cast %while3A_110 : i32 to index
          %get3A_141 = arith.constant 96 : index
          %get3A_142 = tpu.vector_load %arg10[%get3A_139, %get3A_140, %get3A_141] {strides = array<i32>} : memref<2x80x128xf32, #tpu.memory_space<vmem>>, vector<16xf32>,
          %get3A_143 = arith.index_cast %and3A_79 : i32 to index
          %get3A_144 = arith.index_cast %while3A_110 : i32 to index
          %get3A_145 = arith.constant 112 : index
          %get3A_146 = tpu.vector_load %arg10[%get3A_143, %get3A_144, %get3A_145] {strides = array<i32>} : memref<2x80x128xf32, #tpu.memory_space<vmem>>, vector<16xf32>,
          %get3A_147 = arith.index_cast %squeeze3A : i32 to index
          %get3A_148 = arith.constant 0 : index
          %get3A_149 = tpu.vector_load %arg11[%get3A_147, %get3A_148] {strides = array<i32>} : memref<320x128xf32, #tpu.memory_space<vmem>>, vector<16xf32>,
          %get3A_150 = arith.index_cast %squeeze3A : i32 to index
          %get3A_151 = arith.constant 16 : index
          %get3A_152 = tpu.vector_load %arg11[%get3A_150, %get3A_151] {strides = array<i32>} : memref<320x128xf32, #tpu.memory_space<vmem>>, vector<16xf32>,
          %get3A_153 = arith.index_cast %squeeze3A : i32 to index
          %get3A_154 = arith.constant 32 : index
          %get3A_155 = tpu.vector_load %arg11[%get3A_153, %get3A_154] {strides = array<i32>} : memref<320x128xf32, #tpu.memory_space<vmem>>, vector<16xf32>,
          %get3A_156 = arith.index_cast %squeeze3A : i32 to index
          %get3A_157 = arith.constant 48 : index
          %get3A_158 = tpu.vector_load %arg11[%get3A_156, %get3A_157] {strides = array<i32>} : memref<320x128xf32, #tpu.memory_space<vmem>>, vector<16xf32>,
          %get3A_159 = arith.index_cast %squeeze3A : i32 to index
          %get3A_160 = arith.constant 64 : index
          %get3A_161 = tpu.vector_load %arg11[%get3A_159, %get3A_160] {strides = array<i32>} : memref<320x128xf32, #tpu.memory_space<vmem>>, vector<16xf32>,
          %get3A_162 = arith.index_cast %squeeze3A : i32 to index
          %get3A_163 = arith.constant 80 : index
          %get3A_164 = tpu.vector_load %arg11[%get3A_162, %get3A_163] {strides = array<i32>} : memref<320x128xf32, #tpu.memory_space<vmem>>, vector<16xf32>,
          %get3A_165 = arith.index_cast %squeeze3A : i32 to index
          %get3A_166 = arith.constant 96 : index
          %get3A_167 = tpu.vector_load %arg11[%get3A_165, %get3A_166] {strides = array<i32>} : memref<320x128xf32, #tpu.memory_space<vmem>>, vector<16xf32>,
          %get3A_168 = arith.index_cast %squeeze3A : i32 to index
          %get3A_169 = arith.constant 112 : index
          %get3A_170 = tpu.vector_load %arg11[%get3A_168, %get3A_169] {strides = array<i32>} : memref<320x128xf32, #tpu.memory_space<vmem>>, vector<16xf32>,
          %add3A_171 = arith.addf %get3A_149, %get3A_118 : vector<16xf32>
          %swap3A_172 = arith.index_cast %squeeze3A : i32 to index
          %swap3A_173 = arith.constant 0 : index
          %swap3A_174 = tpu.vector_load %arg11[%swap3A_172, %swap3A_173] {strides = array<i32>} : memref<320x128xf32, #tpu.memory_space<vmem>>, vector<16xf32>,
          tpu.vector_store %arg11[%swap3A_172, %swap3A_173], %add3A_171 {strides = array<i32>} : memref<320x128xf32, #tpu.memory_space<vmem>>, vector<16xf32>,
          %add3A_175 = arith.addf %get3A_152, %get3A_122 : vector<16xf32>
          %swap3A_176 = arith.index_cast %squeeze3A : i32 to index
          %swap3A_177 = arith.constant 16 : index
          %swap3A_178 = tpu.vector_load %arg11[%swap3A_176, %swap3A_177] {strides = array<i32>} : memref<320x128xf32, #tpu.memory_space<vmem>>, vector<16xf32>,
          tpu.vector_store %arg11[%swap3A_176, %swap3A_177], %add3A_175 {strides = array<i32>} : memref<320x128xf32, #tpu.memory_space<vmem>>, vector<16xf32>,
          %add3A_179 = arith.addf %get3A_155, %get3A_126 : vector<16xf32>
          %swap3A_180 = arith.index_cast %squeeze3A : i32 to index
          %swap3A_181 = arith.constant 32 : index
          %swap3A_182 = tpu.vector_load %arg11[%swap3A_180, %swap3A_181] {strides = array<i32>} : memref<320x128xf32, #tpu.memory_space<vmem>>, vector<16xf32>,
          tpu.vector_store %arg11[%swap3A_180, %swap3A_181], %add3A_179 {strides = array<i32>} : memref<320x128xf32, #tpu.memory_space<vmem>>, vector<16xf32>,
          %add3A_183 = arith.addf %get3A_158, %get3A_130 : vector<16xf32>
          %swap3A_184 = arith.index_cast %squeeze3A : i32 to index
          %swap3A_185 = arith.constant 48 : index
          %swap3A_186 = tpu.vector_load %arg11[%swap3A_184, %swap3A_185] {strides = array<i32>} : memref<320x128xf32, #tpu.memory_space<vmem>>, vector<16xf32>,
          tpu.vector_store %arg11[%swap3A_184, %swap3A_185], %add3A_183 {strides = array<i32>} : memref<320x128xf32, #tpu.memory_space<vmem>>, vector<16xf32>,
          %add3A_187 = arith.addf %get3A_161, %get3A_134 : vector<16xf32>
          %swap3A_188 = arith.index_cast %squeeze3A : i32 to index
          %swap3A_189 = arith.constant 64 : index
          %swap3A_190 = tpu.vector_load %arg11[%swap3A_188, %swap3A_189] {strides = array<i32>} : memref<320x128xf32, #tpu.memory_space<vmem>>, vector<16xf32>,
          tpu.vector_store %arg11[%swap3A_188, %swap3A_189], %add3A_187 {strides = array<i32>} : memref<320x128xf32, #tpu.memory_space<vmem>>, vector<16xf32>,
          %add3A_191 = arith.addf %get3A_164, %get3A_138 : vector<16xf32>
          %swap3A_192 = arith.index_cast %squeeze3A : i32 to index
          %swap3A_193 = arith.constant 80 : index
          %swap3A_194 = tpu.vector_load %arg11[%swap3A_192, %swap3A_193] {strides = array<i32>} : memref<320x128xf32, #tpu.memory_space<vmem>>, vector<16xf32>,
          tpu.vector_store %arg11[%swap3A_192, %swap3A_193], %add3A_191 {strides = array<i32>} : memref<320x128xf32, #tpu.memory_space<vmem>>, vector<16xf32>,
          %add3A_195 = arith.addf %get3A_167, %get3A_142 : vector<16xf32>
          %swap3A_196 = arith.index_cast %squeeze3A : i32 to index
          %swap3A_197 = arith.constant 96 : index
          %swap3A_198 = tpu.vector_load %arg11[%swap3A_196, %swap3A_197] {strides = array<i32>} : memref<320x128xf32, #tpu.memory_space<vmem>>, vector<16xf32>,
          tpu.vector_store %arg11[%swap3A_196, %swap3A_197], %add3A_195 {strides = array<i32>} : memref<320x128xf32, #tpu.memory_space<vmem>>, vector<16xf32>,
          %add3A_199 = arith.addf %get3A_170, %get3A_146 : vector<16xf32>
          %swap3A_200 = arith.index_cast %squeeze3A : i32 to index
          %swap3A_201 = arith.constant 112 : index
          %swap3A_202 = tpu.vector_load %arg11[%swap3A_200, %swap3A_201] {strides = array<i32>} : memref<320x128xf32, #tpu.memory_space<vmem>>, vector<16xf32>,
          tpu.vector_store %arg11[%swap3A_200, %swap3A_201], %add3A_199 {strides = array<i32>} : memref<320x128xf32, #tpu.memory_space<vmem>>, vector<16xf32>,
        }
        %while3A_109 = arith.constant 1 : i32
        scf.for %while3A_110 = %while3A_107 to %while3A_103 step %while3A_109  : i32 {
          %mul3A_111 = arith.constant 80 : i32
          %mul3A_112 = arith.muli %while3A_77, %mul3A_111 : i32
          %add3A_113 = arith.addi %mul3A_112, %while3A_110 : i32
          %get3A = arith.index_cast %add3A_113 : i32 to index
          %get3A_114 = tpu.vector_load %arg8[%get3A] {strides = array<i32>} : memref<8080xi32, #tpu.memory_space<vmem>>, vector<16xi32>,
          %slice3A = vector.extract_strided_slice %get3A_114 {offsets = [0], sizes = [1], strides = [1]} : vector<16xi32> to vector<1xi32>
          %squeeze3A = vector.extract %slice3A[0] : i32 from vector<1xi32>
          %get3A_115 = arith.index_cast %and3A_79 : i32 to index
          %get3A_116 = arith.index_cast %while3A_110 : i32 to index
          %get3A_117 = arith.constant 0 : index
          %get3A_118 = tpu.vector_load %arg10[%get3A_115, %get3A_116, %get3A_117] {strides = array<i32>} : memref<2x80x128xf32, #tpu.memory_space<vmem>>, vector<16xf32>,
          %get3A_119 = arith.index_cast %and3A_79 : i32 to index
          %get3A_120 = arith.index_cast %while3A_110 : i32 to index
          %get3A_121 = arith.constant 16 : index
          %get3A_122 = tpu.vector_load %arg10[%get3A_119, %get3A_120, %get3A_121] {strides = array<i32>} : memref<2x80x128xf32, #tpu.memory_space<vmem>>, vector<16xf32>,
          %get3A_123 = arith.index_cast %and3A_79 : i32 to index
          %get3A_124 = arith.index_cast %while3A_110 : i32 to index
          %get3A_125 = arith.constant 32 : index
          %get3A_126 = tpu.vector_load %arg10[%get3A_123, %get3A_124, %get3A_125] {strides = array<i32>} : memref<2x80x128xf32, #tpu.memory_space<vmem>>, vector<16xf32>,
          %get3A_127 = arith.index_cast %and3A_79 : i32 to index
          %get3A_128 = arith.index_cast %while3A_110 : i32 to index
          %get3A_129 = arith.constant 48 : index
          %get3A_130 = tpu.vector_load %arg10[%get3A_127, %get3A_128, %get3A_129] {strides = array<i32>} : memref<2x80x128xf32, #tpu.memory_space<vmem>>, vector<16xf32>,
          %get3A_131 = arith.index_cast %and3A_79 : i32 to index
          %get3A_132 = arith.index_cast %while3A_110 : i32 to index
          %get3A_133 = arith.constant 64 : index
          %get3A_134 = tpu.vector_load %arg10[%get3A_131, %get3A_132, %get3A_133] {strides = array<i32>} : memref<2x80x128xf32, #tpu.memory_space<vmem>>, vector<16xf32>,
          %get3A_135 = arith.index_cast %and3A_79 : i32 to index
          %get3A_136 = arith.index_cast %while3A_110 : i32 to index
          %get3A_137 = arith.constant 80 : index
          %get3A_138 = tpu.vector_load %arg10[%get3A_135, %get3A_136, %get3A_137] {strides = array<i32>} : memref<2x80x128xf32, #tpu.memory_space<vmem>>, vector<16xf32>,
          %get3A_139 = arith.index_cast %and3A_79 : i32 to index
          %get3A_140 = arith.index_cast %while3A_110 : i32 to index
          %get3A_141 = arith.constant 96 : index
          %get3A_142 = tpu.vector_load %arg10[%get3A_139, %get3A_140, %get3A_141] {strides = array<i32>} : memref<2x80x128xf32, #tpu.memory_space<vmem>>, vector<16xf32>,
          %get3A_143 = arith.index_cast %and3A_79 : i32 to index
          %get3A_144 = arith.index_cast %while3A_110 : i32 to index
          %get3A_145 = arith.constant 112 : index
          %get3A_146 = tpu.vector_load %arg10[%get3A_143, %get3A_144, %get3A_145] {strides = array<i32>} : memref<2x80x128xf32, #tpu.memory_space<vmem>>, vector<16xf32>,
          %get3A_147 = arith.index_cast %squeeze3A : i32 to index
          %get3A_148 = arith.constant 0 : index
          %get3A_149 = tpu.vector_load %arg11[%get3A_147, %get3A_148] {strides = array<i32>} : memref<320x128xf32, #tpu.memory_space<vmem>>, vector<16xf32>,
          %get3A_150 = arith.index_cast %squeeze3A : i32 to index
          %get3A_151 = arith.constant 16 : index
          %get3A_152 = tpu.vector_load %arg11[%get3A_150, %get3A_151] {strides = array<i32>} : memref<320x128xf32, #tpu.memory_space<vmem>>, vector<16xf32>,
          %get3A_153 = arith.index_cast %squeeze3A : i32 to index
          %get3A_154 = arith.constant 32 : index
          %get3A_155 = tpu.vector_load %arg11[%get3A_153, %get3A_154] {strides = array<i32>} : memref<320x128xf32, #tpu.memory_space<vmem>>, vector<16xf32>,
          %get3A_156 = arith.index_cast %squeeze3A : i32 to index
          %get3A_157 = arith.constant 48 : index
          %get3A_158 = tpu.vector_load %arg11[%get3A_156, %get3A_157] {strides = array<i32>} : memref<320x128xf32, #tpu.memory_space<vmem>>, vector<16xf32>,
          %get3A_159 = arith.index_cast %squeeze3A : i32 to index
          %get3A_160 = arith.constant 64 : index
          %get3A_161 = tpu.vector_load %arg11[%get3A_159, %get3A_160] {strides = array<i32>} : memref<320x128xf32, #tpu.memory_space<vmem>>, vector<16xf32>,
          %get3A_162 = arith.index_cast %squeeze3A : i32 to index
          %get3A_163 = arith.constant 80 : index
          %get3A_164 = tpu.vector_load %arg11[%get3A_162, %get3A_163] {strides = array<i32>} : memref<320x128xf32, #tpu.memory_space<vmem>>, vector<16xf32>,
          %get3A_165 = arith.index_cast %squeeze3A : i32 to index
          %get3A_166 = arith.constant 96 : index
          %get3A_167 = tpu.vector_load %arg11[%get3A_165, %get3A_166] {strides = array<i32>} : memref<320x128xf32, #tpu.memory_space<vmem>>, vector<16xf32>,
          %get3A_168 = arith.index_cast %squeeze3A : i32 to index
          %get3A_169 = arith.constant 112 : index
          %get3A_170 = tpu.vector_load %arg11[%get3A_168, %get3A_169] {strides = array<i32>} : memref<320x128xf32, #tpu.memory_space<vmem>>, vector<16xf32>,
          %add3A_171 = arith.addf %get3A_149, %get3A_118 : vector<16xf32>
          %swap3A_172 = arith.index_cast %squeeze3A : i32 to index
          %swap3A_173 = arith.constant 0 : index
          %swap3A_174 = tpu.vector_load %arg11[%swap3A_172, %swap3A_173] {strides = array<i32>} : memref<320x128xf32, #tpu.memory_space<vmem>>, vector<16xf32>,
          tpu.vector_store %arg11[%swap3A_172, %swap3A_173], %add3A_171 {strides = array<i32>} : memref<320x128xf32, #tpu.memory_space<vmem>>, vector<16xf32>,
          %add3A_175 = arith.addf %get3A_152, %get3A_122 : vector<16xf32>
          %swap3A_176 = arith.index_cast %squeeze3A : i32 to index
          %swap3A_177 = arith.constant 16 : index
          %swap3A_178 = tpu.vector_load %arg11[%swap3A_176, %swap3A_177] {strides = array<i32>} : memref<320x128xf32, #tpu.memory_space<vmem>>, vector<16xf32>,
          tpu.vector_store %arg11[%swap3A_176, %swap3A_177], %add3A_175 {strides = array<i32>} : memref<320x128xf32, #tpu.memory_space<vmem>>, vector<16xf32>,
          %add3A_179 = arith.addf %get3A_155, %get3A_126 : vector<16xf32>
          %swap3A_180 = arith.index_cast %squeeze3A : i32 to index
          %swap3A_181 = arith.constant 32 : index
          %swap3A_182 = tpu.vector_load %arg11[%swap3A_180, %swap3A_181] {strides = array<i32>} : memref<320x128xf32, #tpu.memory_space<vmem>>, vector<16xf32>,
          tpu.vector_store %arg11[%swap3A_180, %swap3A_181], %add3A_179 {strides = array<i32>} : memref<320x128xf32, #tpu.memory_space<vmem>>, vector<16xf32>,
          %add3A_183 = arith.addf %get3A_158, %get3A_130 : vector<16xf32>
          %swap3A_184 = arith.index_cast %squeeze3A : i32 to index
          %swap3A_185 = arith.constant 48 : index
          %swap3A_186 = tpu.vector_load %arg11[%swap3A_184, %swap3A_185] {strides = array<i32>} : memref<320x128xf32, #tpu.memory_space<vmem>>, vector<16xf32>,
          tpu.vector_store %arg11[%swap3A_184, %swap3A_185], %add3A_183 {strides = array<i32>} : memref<320x128xf32, #tpu.memory_space<vmem>>, vector<16xf32>,
          %add3A_187 = arith.addf %get3A_161, %get3A_134 : vector<16xf32>
          %swap3A_188 = arith.index_cast %squeeze3A : i32 to index
          %swap3A_189 = arith.constant 64 : index
          %swap3A_190 = tpu.vector_load %arg11[%swap3A_188, %swap3A_189] {strides = array<i32>} : memref<320x128xf32, #tpu.memory_space<vmem>>, vector<16xf32>,
          tpu.vector_store %arg11[%swap3A_188, %swap3A_189], %add3A_187 {strides = array<i32>} : memref<320x128xf32, #tpu.memory_space<vmem>>, vector<16xf32>,
          %add3A_191 = arith.addf %get3A_164, %get3A_138 : vector<16xf32>
          %swap3A_192 = arith.index_cast %squeeze3A : i32 to index
          %swap3A_193 = arith.constant 80 : index
          %swap3A_194 = tpu.vector_load %arg11[%swap3A_192, %swap3A_193] {strides = array<i32>} : memref<320x128xf32, #tpu.memory_space<vmem>>, vector<16xf32>,
          tpu.vector_store %arg11[%swap3A_192, %swap3A_193], %add3A_191 {strides = array<i32>} : memref<320x128xf32, #tpu.memory_space<vmem>>, vector<16xf32>,
          %add3A_195 = arith.addf %get3A_167, %get3A_142 : vector<16xf32>
          %swap3A_196 = arith.index_cast %squeeze3A : i32 to index
          %swap3A_197 = arith.constant 96 : index
          %swap3A_198 = tpu.vector_load %arg11[%swap3A_196, %swap3A_197] {strides = array<i32>} : memref<320x128xf32, #tpu.memory_space<vmem>>, vector<16xf32>,
          tpu.vector_store %arg11[%swap3A_196, %swap3A_197], %add3A_195 {strides = array<i32>} : memref<320x128xf32, #tpu.memory_space<vmem>>, vector<16xf32>,
          %add3A_199 = arith.addf %get3A_170, %get3A_146 : vector<16xf32>
          %swap3A_200 = arith.index_cast %squeeze3A : i32 to index
          %swap3A_201 = arith.constant 112 : index
          %swap3A_202 = tpu.vector_load %arg11[%swap3A_200, %swap3A_201] {strides = array<i32>} : memref<320x128xf32, #tpu.memory_space<vmem>>, vector<16xf32>,
          tpu.vector_store %arg11[%swap3A_200, %swap3A_201], %add3A_199 {strides = array<i32>} : memref<320x128xf32, #tpu.memory_space<vmem>>, vector<16xf32>,
        }
      }
    }
    %scan3A_14 = arith.constant 40 : i32
    "tpu.region"() ({
      %run_scoped3A = tpu.sem_alloc : memref<!tpu.dma_semaphore, #tpu.memory_space<semaphore_mem>>
      %dma_start3A = arith.constant 0 : i32
      %dma_start3A_15 = tpu.memref_slice %arg5[%mul3A_2, %dma_start3A] : memref<10240x128xf32, #tpu.memory_space<hbm>> -> memref<320x128xf32, #tpu.memory_space<hbm>>
      %dma_start3A_16 = arith.constant 0 : i32
      %dma_start3A_17 = tpu.memref_slice %arg5[%mul3A_2, %dma_start3A_16] : memref<10240x128xf32, #tpu.memory_space<hbm>> -> memref<320x128xf32, #tpu.memory_space<hbm>>
      tpu.enqueue_dma source(%arg11 : memref<320x128xf32, #tpu.memory_space<vmem>>) target(%dma_start3A_17 : memref<320x128xf32, #tpu.memory_space<hbm>>) target_semaphore(%run_scoped3A : memref<!tpu.dma_semaphore, #tpu.memory_space<semaphore_mem>>)
      %dma_wait3A = arith.constant 0 : i32
      %dma_wait3A_18 = tpu.memref_slice %arg5[%mul3A_2, %dma_wait3A] : memref<10240x128xf32, #tpu.memory_space<hbm>> -> memref<320x128xf32, #tpu.memory_space<hbm>>
      %dma_wait3A_19 = arith.constant 0 : i32
      %dma_wait3A_20 = tpu.memref_slice %arg5[%mul3A_2, %dma_wait3A_19] : memref<10240x128xf32, #tpu.memory_space<hbm>> -> memref<320x128xf32, #tpu.memory_space<hbm>>
      tpu.wait_dma2 semaphore(%run_scoped3A : memref<!tpu.dma_semaphore, #tpu.memory_space<semaphore_mem>>) src(%arg11 : memref<320x128xf32, #tpu.memory_space<vmem>>) dst(%dma_wait3A_20 : memref<320x128xf32, #tpu.memory_space<hbm>>)
      tpu.yield
    }) : () -> ()
    return
  }
}

#map = affine_map<(d0, d1) -> (0)>
#map1 = affine_map<(d0, d1) -> (0, 0)>
module attributes {stable_mosaic.version = 14 : i64} {
  func.func @_sc_edge_stats(%arg0: i32, %arg1: i32, %arg2: memref<320000xi32, #tpu.memory_space<hbm>>, %arg3: memref<320000xi32, #tpu.memory_space<hbm>>, %arg4: memref<40000x128xf32, #tpu.memory_space<hbm>>, %arg5: memref<10000xi32, #tpu.memory_space<hbm>>, %arg6: memref<10240x16xf32, #tpu.memory_space<hbm>>, %arg7: memref<10016xi32, #tpu.memory_space<vmem>>, %arg8: memref<8000xi32, #tpu.memory_space<vmem>>, %arg9: memref<8000xi32, #tpu.memory_space<vmem>>, %arg10: memref<8080xi32, #tpu.memory_space<vmem>>, %arg11: memref<8080xi32, #tpu.memory_space<vmem>>, %arg12: memref<8080xi32, #tpu.memory_space<vmem>>, %arg13: memref<8080xi32, #tpu.memory_space<vmem>>, %arg14: memref<2x80x128xf32, #tpu.memory_space<vmem>>, %arg15: memref<320x16xf32, #tpu.memory_space<vmem>>, %arg16: memref<2x!tpu.dma_semaphore, #tpu.memory_space<semaphore_mem>>) attributes {dimension_semantics = [#tpu.dimension_semantics<core_parallel>, #tpu.dimension_semantics<subcore_parallel>], iteration_bounds = array<i64: 2, 16>, scalar_prefetch = 0 : i64, scratch_operands = 10 : i64, tpu.core_type = #tpu.core_type<sc_vector_subcore>, window_params = [{transform_indices = #map}, {transform_indices = #map}, {transform_indices = #map1}, {transform_indices = #map}, {transform_indices = #map1}]} {
    %mul3A = arith.constant 2 : i32
    %mul3A_0 = arith.muli %arg1, %mul3A : i32
    %add3A = arith.addi %mul3A_0, %arg0 : i32
    %mul3A_1 = arith.constant 320 : i32
    %mul3A_2 = arith.muli %add3A, %mul3A_1 : i32
    %broadcast_in_dim3A = arith.constant 0.000000e+00 : f32
    %broadcast_in_dim3A_3 = vector.broadcast %broadcast_in_dim3A : f32 to vector<16xf32>
    %iota3A = tpu.iota {dimensions = array<i32: 0>} : vector<16xi32>
    %scan3A = arith.constant 0 : i32
    %scan3A_4 = arith.constant 0 : i32
    %scan3A_5 = arith.constant 320 : i32
    %scan3A_6 = arith.addi %scan3A_4, %scan3A_5 : i32
    %scan3A_7 = arith.constant 1 : i32
    scf.for %scan3A_15 = %scan3A_4 to %scan3A_6 step %scan3A_7  : i32 {
      %swap3A = arith.index_cast %scan3A_15 : i32 to index
      %swap3A_16 = arith.constant 0 : index
      %swap3A_17 = tpu.vector_load %arg15[%swap3A, %swap3A_16] {strides = array<i32>} : memref<320x16xf32, #tpu.memory_space<vmem>>, vector<16xf32>,
      tpu.vector_store %arg15[%swap3A, %swap3A_16], %broadcast_in_dim3A_3 {strides = array<i32>} : memref<320x16xf32, #tpu.memory_space<vmem>>, vector<16xf32>,
    }
    %scan3A_8 = arith.constant 320 : i32
    "tpu.region"() ({
      %run_scoped3A = tpu.sem_alloc : memref<!tpu.dma_semaphore, #tpu.memory_space<semaphore_mem>>
      %dma_start3A = arith.constant 0 : i32
      %dma_start3A_15 = tpu.memref_slice %arg7[%dma_start3A] : memref<10016xi32, #tpu.memory_space<vmem>> -> memref<10000xi32, #tpu.memory_space<vmem>>
      %dma_start3A_16 = arith.constant 0 : i32
      %dma_start3A_17 = tpu.memref_slice %arg7[%dma_start3A_16] : memref<10016xi32, #tpu.memory_space<vmem>> -> memref<10000xi32, #tpu.memory_space<vmem>>
      tpu.enqueue_dma source(%arg5 : memref<10000xi32, #tpu.memory_space<hbm>>) target(%dma_start3A_17 : memref<10000xi32, #tpu.memory_space<vmem>>) target_semaphore(%run_scoped3A : memref<!tpu.dma_semaphore, #tpu.memory_space<semaphore_mem>>)
      %dma_wait3A = arith.constant 0 : i32
      %dma_wait3A_18 = tpu.memref_slice %arg7[%dma_wait3A] : memref<10016xi32, #tpu.memory_space<vmem>> -> memref<10000xi32, #tpu.memory_space<vmem>>
      %dma_wait3A_19 = arith.constant 0 : i32
      %dma_wait3A_20 = tpu.memref_slice %arg7[%dma_wait3A_19] : memref<10016xi32, #tpu.memory_space<vmem>> -> memref<10000xi32, #tpu.memory_space<vmem>>
      tpu.wait_dma2 semaphore(%run_scoped3A : memref<!tpu.dma_semaphore, #tpu.memory_space<semaphore_mem>>) src(%arg5 : memref<10000xi32, #tpu.memory_space<hbm>>) dst(%dma_wait3A_20 : memref<10000xi32, #tpu.memory_space<vmem>>)
      tpu.yield
    }) : () -> ()
    %scan3A_9 = arith.constant 0 : i32
    %scan3A_10 = arith.constant 0 : i32
    %scan3A_11 = arith.constant 40 : i32
    %scan3A_12 = arith.addi %scan3A_10, %scan3A_11 : i32
    %scan3A_13 = arith.constant 1 : i32
    scf.for %scan3A_15 = %scan3A_10 to %scan3A_12 step %scan3A_13  : i32 {
      %mul3A_16 = arith.constant 8000 : i32
      %mul3A_17 = arith.muli %scan3A_15, %mul3A_16 : i32
      "tpu.region"() ({
        %run_scoped3A = tpu.sem_alloc : memref<!tpu.dma_semaphore, #tpu.memory_space<semaphore_mem>>
        %dma_start3A = tpu.memref_slice %arg2[%mul3A_17] : memref<320000xi32, #tpu.memory_space<hbm>> -> memref<8000xi32, #tpu.memory_space<hbm>>
        %dma_start3A_81 = tpu.memref_slice %arg2[%mul3A_17] : memref<320000xi32, #tpu.memory_space<hbm>> -> memref<8000xi32, #tpu.memory_space<hbm>>
        tpu.enqueue_dma source(%dma_start3A_81 : memref<8000xi32, #tpu.memory_space<hbm>>) target(%arg8 : memref<8000xi32, #tpu.memory_space<vmem>>) target_semaphore(%run_scoped3A : memref<!tpu.dma_semaphore, #tpu.memory_space<semaphore_mem>>)
        %dma_wait3A = tpu.memref_slice %arg2[%mul3A_17] : memref<320000xi32, #tpu.memory_space<hbm>> -> memref<8000xi32, #tpu.memory_space<hbm>>
        %dma_wait3A_82 = tpu.memref_slice %arg2[%mul3A_17] : memref<320000xi32, #tpu.memory_space<hbm>> -> memref<8000xi32, #tpu.memory_space<hbm>>
        tpu.wait_dma2 semaphore(%run_scoped3A : memref<!tpu.dma_semaphore, #tpu.memory_space<semaphore_mem>>) src(%dma_wait3A_82 : memref<8000xi32, #tpu.memory_space<hbm>>) dst(%arg8 : memref<8000xi32, #tpu.memory_space<vmem>>)
        tpu.yield
      }) : () -> ()
      "tpu.region"() ({
        %run_scoped3A = tpu.sem_alloc : memref<!tpu.dma_semaphore, #tpu.memory_space<semaphore_mem>>
        %dma_start3A = tpu.memref_slice %arg3[%mul3A_17] : memref<320000xi32, #tpu.memory_space<hbm>> -> memref<8000xi32, #tpu.memory_space<hbm>>
        %dma_start3A_81 = tpu.memref_slice %arg3[%mul3A_17] : memref<320000xi32, #tpu.memory_space<hbm>> -> memref<8000xi32, #tpu.memory_space<hbm>>
        tpu.enqueue_dma source(%dma_start3A_81 : memref<8000xi32, #tpu.memory_space<hbm>>) target(%arg9 : memref<8000xi32, #tpu.memory_space<vmem>>) target_semaphore(%run_scoped3A : memref<!tpu.dma_semaphore, #tpu.memory_space<semaphore_mem>>)
        %dma_wait3A = tpu.memref_slice %arg3[%mul3A_17] : memref<320000xi32, #tpu.memory_space<hbm>> -> memref<8000xi32, #tpu.memory_space<hbm>>
        %dma_wait3A_82 = tpu.memref_slice %arg3[%mul3A_17] : memref<320000xi32, #tpu.memory_space<hbm>> -> memref<8000xi32, #tpu.memory_space<hbm>>
        tpu.wait_dma2 semaphore(%run_scoped3A : memref<!tpu.dma_semaphore, #tpu.memory_space<semaphore_mem>>) src(%dma_wait3A_82 : memref<8000xi32, #tpu.memory_space<hbm>>) dst(%arg9 : memref<8000xi32, #tpu.memory_space<vmem>>)
        tpu.yield
      }) : () -> ()
      %scan3A_18 = arith.constant 0 : i32
      %scan3A_19 = arith.constant 0 : i32
      %scan3A_20 = arith.constant 500 : i32
      %scan3A_21 = arith.addi %scan3A_19, %scan3A_20 : i32
      %scan3A_22 = arith.constant 1 : i32
      %scan3A_23 = scf.for %scan3A_81 = %scan3A_19 to %scan3A_21 step %scan3A_22 iter_args(%scan3A_82 = %scan3A_18) -> (i32)  : i32 {
        %mul3A_83 = arith.constant 16 : i32
        %mul3A_84 = arith.muli %scan3A_81, %mul3A_83 : i32
        %get3A = arith.index_cast %mul3A_84 : i32 to index
        %get3A_85 = tpu.vector_load %arg8[%get3A] {strides = array<i32>} : memref<8000xi32, #tpu.memory_space<vmem>>, vector<16xi32>,
        %mul3A_86 = arith.constant 16 : i32
        %mul3A_87 = arith.muli %scan3A_81, %mul3A_86 : i32
        %get3A_88 = arith.index_cast %mul3A_87 : i32 to index
        %get3A_89 = tpu.vector_load %arg9[%get3A_88] {strides = array<i32>} : memref<8000xi32, #tpu.memory_space<vmem>>, vector<16xi32>,
        %sub3A_90 = vector.broadcast %mul3A_2 : i32 to vector<16xi32>
        %sub3A_91 = arith.subi %get3A_85, %sub3A_90 : vector<16xi32>
        %ge3A = arith.constant 0 : i32
        %ge3A_92 = vector.broadcast %ge3A : i32 to vector<16xi32>
        %ge3A_93 = arith.cmpi sge, %sub3A_91, %ge3A_92 : vector<16xi32>
        %lt3A = arith.constant 320 : i32
        %lt3A_94 = vector.broadcast %lt3A : i32 to vector<16xi32>
        %lt3A_95 = arith.cmpi slt, %sub3A_91, %lt3A_94 : vector<16xi32>
        %and3A_96 = arith.andi %ge3A_93, %lt3A_95 : vector<16xi1>
        %swap3A_97 = arith.index_cast %scan3A_82 : i32 to index
        %swap3A_98 = tpu.vector_load %arg10[%swap3A_97] masked %and3A_96 {strides = array<i32>} : memref<8080xi32, #tpu.memory_space<vmem>>, vector<16xi32>, vector<16xi1>
        tpu.vector_store %arg10[%swap3A_97], %sub3A_91 masked %and3A_96 {strides = array<i32>} : memref<8080xi32, #tpu.memory_space<vmem>>, vector<16xi32>, vector<16xi1>
        %swap3A_99 = arith.index_cast %scan3A_82 : i32 to index
        %swap3A_100 = tpu.vector_load %arg11[%swap3A_99] masked %and3A_96 {strides = array<i32>} : memref<8080xi32, #tpu.memory_space<vmem>>, vector<16xi32>, vector<16xi1>
        tpu.vector_store %arg11[%swap3A_99], %get3A_89 masked %and3A_96 {strides = array<i32>} : memref<8080xi32, #tpu.memory_space<vmem>>, vector<16xi32>, vector<16xi1>
        %mul3A_101 = arith.constant 16 : i32
        %mul3A_102 = arith.muli %scan3A_81, %mul3A_101 : i32
        %add3A_103 = arith.addi %mul3A_17, %mul3A_102 : i32
        %add3A_104 = vector.broadcast %add3A_103 : i32 to vector<16xi32>
        %add3A_105 = arith.addi %iota3A, %add3A_104 : vector<16xi32>
        %swap3A_106 = arith.index_cast %scan3A_82 : i32 to index
        %swap3A_107 = tpu.vector_load %arg12[%swap3A_106] masked %and3A_96 {strides = array<i32>} : memref<8080xi32, #tpu.memory_space<vmem>>, vector<16xi32>, vector<16xi1>
        tpu.vector_store %arg12[%swap3A_106], %add3A_105 masked %and3A_96 {strides = array<i32>} : memref<8080xi32, #tpu.memory_space<vmem>>, vector<16xi32>, vector<16xi1>
        %shift_right_logical3A = arith.constant 3 : i32
        %shift_right_logical3A_108 = vector.broadcast %shift_right_logical3A : i32 to vector<16xi32>
        %shift_right_logical3A_109 = arith.shrui %add3A_105, %shift_right_logical3A_108 : vector<16xi32>
        %swap3A_110 = arith.index_cast %scan3A_82 : i32 to index
        %swap3A_111 = tpu.vector_load %arg13[%swap3A_110] masked %and3A_96 {strides = array<i32>} : memref<8080xi32, #tpu.memory_space<vmem>>, vector<16xi32>, vector<16xi1>
        tpu.vector_store %arg13[%swap3A_110], %shift_right_logical3A_109 masked %and3A_96 {strides = array<i32>} : memref<8080xi32, #tpu.memory_space<vmem>>, vector<16xi32>, vector<16xi1>
        %all_reduce_population_count3A = tpu.all_reduce %and3A_96 {dim = 0 : i64, kind = #tpu.reduction_kind<sum>} : vector<16xi1> -> vector<16xi32>
        %slice3A = vector.extract_strided_slice %all_reduce_population_count3A {offsets = [0], sizes = [1], strides = [1]} : vector<16xi32> to vector<1xi32>
        %squeeze3A = vector.extract %slice3A[0] : i32 from vector<1xi32>
        %add3A_112 = arith.addi %scan3A_82, %squeeze3A : i32
        scf.yield %add3A_112 : i32
      }
      %scan3A_24 = arith.constant 500 : i32
      %broadcast_in_dim3A_25 = arith.constant 0 : i32
      %broadcast_in_dim3A_26 = vector.broadcast %broadcast_in_dim3A_25 : i32 to vector<16xi32>
      %add3A_27 = arith.constant 0 : i32
      %add3A_28 = arith.addi %scan3A_23, %add3A_27 : i32
      %swap3A = arith.index_cast %add3A_28 : i32 to index
      %swap3A_29 = tpu.vector_load %arg13[%swap3A] {strides = array<i32>} : memref<8080xi32, #tpu.memory_space<vmem>>, vector<16xi32>,
      tpu.vector_store %arg13[%swap3A], %broadcast_in_dim3A_26 {strides = array<i32>} : memref<8080xi32, #tpu.memory_space<vmem>>, vector<16xi32>,
      %add3A_30 = arith.constant 16 : i32
      %add3A_31 = arith.addi %scan3A_23, %add3A_30 : i32
      %swap3A_32 = arith.index_cast %add3A_31 : i32 to index
      %swap3A_33 = tpu.vector_load %arg13[%swap3A_32] {strides = array<i32>} : memref<8080xi32, #tpu.memory_space<vmem>>, vector<16xi32>,
      tpu.vector_store %arg13[%swap3A_32], %broadcast_in_dim3A_26 {strides = array<i32>} : memref<8080xi32, #tpu.memory_space<vmem>>, vector<16xi32>,
      %add3A_34 = arith.constant 32 : i32
      %add3A_35 = arith.addi %scan3A_23, %add3A_34 : i32
      %swap3A_36 = arith.index_cast %add3A_35 : i32 to index
      %swap3A_37 = tpu.vector_load %arg13[%swap3A_36] {strides = array<i32>} : memref<8080xi32, #tpu.memory_space<vmem>>, vector<16xi32>,
      tpu.vector_store %arg13[%swap3A_36], %broadcast_in_dim3A_26 {strides = array<i32>} : memref<8080xi32, #tpu.memory_space<vmem>>, vector<16xi32>,
      %add3A_38 = arith.constant 48 : i32
      %add3A_39 = arith.addi %scan3A_23, %add3A_38 : i32
      %swap3A_40 = arith.index_cast %add3A_39 : i32 to index
      %swap3A_41 = tpu.vector_load %arg13[%swap3A_40] {strides = array<i32>} : memref<8080xi32, #tpu.memory_space<vmem>>, vector<16xi32>,
      tpu.vector_store %arg13[%swap3A_40], %broadcast_in_dim3A_26 {strides = array<i32>} : memref<8080xi32, #tpu.memory_space<vmem>>, vector<16xi32>,
      %add3A_42 = arith.constant 64 : i32
      %add3A_43 = arith.addi %scan3A_23, %add3A_42 : i32
      %swap3A_44 = arith.index_cast %add3A_43 : i32 to index
      %swap3A_45 = tpu.vector_load %arg13[%swap3A_44] {strides = array<i32>} : memref<8080xi32, #tpu.memory_space<vmem>>, vector<16xi32>,
      tpu.vector_store %arg13[%swap3A_44], %broadcast_in_dim3A_26 {strides = array<i32>} : memref<8080xi32, #tpu.memory_space<vmem>>, vector<16xi32>,
      %add3A_46 = arith.constant 80 : i32
      %add3A_47 = arith.addi %scan3A_23, %add3A_46 : i32
      %sub3A = arith.constant 1 : i32
      %sub3A_48 = arith.subi %add3A_47, %sub3A : i32
      %jit3A = arith.constant 80 : i32
      %div3A = arith.divsi %sub3A_48, %jit3A : i32
      %sign3A = arith.constant 0 : i32
      %sign3A_49 = arith.cmpi sgt, %sub3A_48, %sign3A : i32
      %sign3A_50 = arith.extui %sign3A_49 : i1 to i32
      %sign3A_51 = arith.constant 0 : i32
      %sign3A_52 = arith.cmpi slt, %sub3A_48, %sign3A_51 : i32
      %sign3A_53 = arith.extui %sign3A_52 : i1 to i32
      %sign3A_54 = arith.subi %sign3A_50, %sign3A_53 : i32
      %sign3A_55 = arith.constant 0 : i32
      %sign3A_56 = arith.cmpi sgt, %jit3A, %sign3A_55 : i32
      %sign3A_57 = arith.extui %sign3A_56 : i1 to i32
      %sign3A_58 = arith.constant 0 : i32
      %sign3A_59 = arith.cmpi slt, %jit3A, %sign3A_58 : i32
      %sign3A_60 = arith.extui %sign3A_59 : i1 to i32
      %sign3A_61 = arith.subi %sign3A_57, %sign3A_60 : i32
      %ne3A = arith.cmpi ne, %sign3A_54, %sign3A_61 : i32
      %rem3A = arith.remsi %sub3A_48, %jit3A : i32
      %ne3A_62 = arith.constant 0 : i32
      %ne3A_63 = arith.cmpi ne, %rem3A, %ne3A_62 : i32
      %and3A = arith.andi %ne3A, %ne3A_63 : i1
      %sub3A_64 = arith.constant 1 : i32
      %sub3A_65 = arith.subi %div3A, %sub3A_64 : i32
      %select_n3A = arith.select %and3A, %sub3A_65, %div3A : i32
      %eq3A = arith.constant 10 : i32
      %eq3A_66 = vector.broadcast %eq3A : i32 to vector<16xi32>
      %eq3A_67 = arith.cmpi eq, %iota3A, %eq3A_66 : vector<16xi32>
      %convert_element_type3A = arith.extui %eq3A_67 : vector<16xi1> to vector<16xi32>
      %convert_element_type3A_68 = arith.sitofp %convert_element_type3A : vector<16xi32> to vector<16xf32>
      %gt3A = arith.constant 0 : i32
      %gt3A_69 = arith.cmpi sgt, %select_n3A, %gt3A : i32
      %convert_element_type3A_70 = arith.extui %gt3A_69 : i1 to i32
      %cond3A = arith.constant 0 : i32
      %cond3A_71 = arith.cmpi ne, %convert_element_type3A_70, %cond3A : i32
      scf.if %cond3A_71 {
        %dma_start3A = arith.constant 0 : i32
        %dma_start3A_81 = arith.constant 0 : i32
        %dma_start3A_82 = arith.constant 0 : i32
        %dma_start3A_83 = arith.constant 0 : i32
        %dma_start3A_84 = tpu.memref_slice %arg14[%dma_start3A, %dma_start3A_82, %dma_start3A_83] : memref<2x80x128xf32, #tpu.memory_space<vmem>> -> memref<1x80x128xf32, #tpu.memory_space<vmem>>
        %dma_start3A_85 = tpu.memref_squeeze %dma_start3A_84 : memref<1x80x128xf32, #tpu.memory_space<vmem>> -> memref<80x128xf32, #tpu.memory_space<vmem>>
        %dma_start3A_86 = arith.constant 0 : i32
        %dma_start3A_87 = tpu.memref_slice %arg13[%dma_start3A_86] : memref<8080xi32, #tpu.memory_space<vmem>> -> memref<80xi32, #tpu.memory_space<vmem>>
        %dma_start3A_88 = arith.constant 0 : i32
        %dma_start3A_89 = arith.constant 0 : i32
        %dma_start3A_90 = tpu.memref_slice %arg4[%dma_start3A_88, %dma_start3A_89] : memref<40000x128xf32, #tpu.memory_space<hbm>> -> memref<40000x128xf32, #tpu.memory_space<hbm>>
        %dma_start3A_91 = tpu.memref_slice %arg16[%dma_start3A_81] : memref<2x!tpu.dma_semaphore, #tpu.memory_space<semaphore_mem>> -> memref<1x!tpu.dma_semaphore, #tpu.memory_space<semaphore_mem>>
        %dma_start3A_92 = tpu.memref_squeeze %dma_start3A_91 : memref<1x!tpu.dma_semaphore, #tpu.memory_space<semaphore_mem>> -> memref<!tpu.dma_semaphore, #tpu.memory_space<semaphore_mem>>
        tpu.enqueue_indirect_dma source(%dma_start3A_90 : memref<40000x128xf32, #tpu.memory_space<hbm>>) target(%dma_start3A_85 : memref<80x128xf32, #tpu.memory_space<vmem>>) offsets(%dma_start3A_87 : memref<80xi32, #tpu.memory_space<vmem>>) semaphore(%dma_start3A_92 : memref<!tpu.dma_semaphore, #tpu.memory_space<semaphore_mem>>)
      } else {
      }
      %while3A = arith.constant 0 : i32
      %while3A_72 = arith.constant 0 : i32
      %while3A_73 = arith.subi %select_n3A, %while3A_72 : i32
      %while3A_74 = arith.addi %while3A_72, %while3A_73 : i32
      %while3A_75 = arith.constant 1 : i32
      %while3A_76 = arith.divsi %while3A_73, %while3A_75 : i32
      %while3A_77 = arith.muli %while3A_76, %while3A_75 : i32
      %while3A_78 = arith.addi %while3A_72, %while3A_77 : i32
      %while3A_79 = arith.constant 1 : i32
      scf.for %while3A_81 = %while3A_72 to %while3A_78 step %while3A_79  : i32 {
        %and3A_82 = arith.constant 1 : i32
        %and3A_83 = arith.andi %while3A_81, %and3A_82 : i32
        %mul3A_84 = arith.constant 80 : i32
        %mul3A_85 = arith.muli %while3A_81, %mul3A_84 : i32
        %dma_wait3A = arith.constant 0 : i32
        %dma_wait3A_86 = arith.constant 0 : i32
        %dma_wait3A_87 = tpu.memref_slice %arg14[%and3A_83, %dma_wait3A, %dma_wait3A_86] : memref<2x80x128xf32, #tpu.memory_space<vmem>> -> memref<1x80x128xf32, #tpu.memory_space<vmem>>
        %dma_wait3A_88 = tpu.memref_squeeze %dma_wait3A_87 : memref<1x80x128xf32, #tpu.memory_space<vmem>> -> memref<80x128xf32, #tpu.memory_space<vmem>>
        %dma_wait3A_89 = tpu.memref_slice %arg13[%mul3A_85] : memref<8080xi32, #tpu.memory_space<vmem>> -> memref<80xi32, #tpu.memory_space<vmem>>
        %dma_wait3A_90 = arith.constant 0 : i32
        %dma_wait3A_91 = arith.constant 0 : i32
        %dma_wait3A_92 = tpu.memref_slice %arg4[%dma_wait3A_90, %dma_wait3A_91] : memref<40000x128xf32, #tpu.memory_space<hbm>> -> memref<40000x128xf32, #tpu.memory_space<hbm>>
        %dma_wait3A_93 = tpu.memref_slice %arg16[%and3A_83] : memref<2x!tpu.dma_semaphore, #tpu.memory_space<semaphore_mem>> -> memref<1x!tpu.dma_semaphore, #tpu.memory_space<semaphore_mem>>
        %dma_wait3A_94 = tpu.memref_squeeze %dma_wait3A_93 : memref<1x!tpu.dma_semaphore, #tpu.memory_space<semaphore_mem>> -> memref<!tpu.dma_semaphore, #tpu.memory_space<semaphore_mem>>
        tpu.wait_indirect_dma semaphore(%dma_wait3A_94 : memref<!tpu.dma_semaphore, #tpu.memory_space<semaphore_mem>>) src(%dma_wait3A_92 : memref<40000x128xf32, #tpu.memory_space<hbm>>) dst(%dma_wait3A_88 : memref<80x128xf32, #tpu.memory_space<vmem>>)
        %add3A_95 = arith.constant 1 : i32
        %add3A_96 = arith.addi %while3A_81, %add3A_95 : i32
        %lt3A = arith.cmpi slt, %add3A_96, %select_n3A : i32
        %convert_element_type3A_97 = arith.extui %lt3A : i1 to i32
        %cond3A_98 = arith.constant 0 : i32
        %cond3A_99 = arith.cmpi ne, %convert_element_type3A_97, %cond3A_98 : i32
        scf.if %cond3A_99 {
          %sub3A_114 = arith.constant 1 : i32
          %sub3A_115 = arith.subi %sub3A_114, %and3A_83 : i32
          %add3A_116 = arith.constant 1 : i32
          %add3A_117 = arith.addi %while3A_81, %add3A_116 : i32
          %mul3A_118 = arith.constant 80 : i32
          %mul3A_119 = arith.muli %add3A_117, %mul3A_118 : i32
          %dma_start3A = arith.constant 0 : i32
          %dma_start3A_120 = arith.constant 0 : i32
          %dma_start3A_121 = tpu.memref_slice %arg14[%sub3A_115, %dma_start3A, %dma_start3A_120] : memref<2x80x128xf32, #tpu.memory_space<vmem>> -> memref<1x80x128xf32, #tpu.memory_space<vmem>>
          %dma_start3A_122 = tpu.memref_squeeze %dma_start3A_121 : memref<1x80x128xf32, #tpu.memory_space<vmem>> -> memref<80x128xf32, #tpu.memory_space<vmem>>
          %dma_start3A_123 = tpu.memref_slice %arg13[%mul3A_119] : memref<8080xi32, #tpu.memory_space<vmem>> -> memref<80xi32, #tpu.memory_space<vmem>>
          %dma_start3A_124 = arith.constant 0 : i32
          %dma_start3A_125 = arith.constant 0 : i32
          %dma_start3A_126 = tpu.memref_slice %arg4[%dma_start3A_124, %dma_start3A_125] : memref<40000x128xf32, #tpu.memory_space<hbm>> -> memref<40000x128xf32, #tpu.memory_space<hbm>>
          %dma_start3A_127 = tpu.memref_slice %arg16[%sub3A_115] : memref<2x!tpu.dma_semaphore, #tpu.memory_space<semaphore_mem>> -> memref<1x!tpu.dma_semaphore, #tpu.memory_space<semaphore_mem>>
          %dma_start3A_128 = tpu.memref_squeeze %dma_start3A_127 : memref<1x!tpu.dma_semaphore, #tpu.memory_space<semaphore_mem>> -> memref<!tpu.dma_semaphore, #tpu.memory_space<semaphore_mem>>
          tpu.enqueue_indirect_dma source(%dma_start3A_126 : memref<40000x128xf32, #tpu.memory_space<hbm>>) target(%dma_start3A_122 : memref<80x128xf32, #tpu.memory_space<vmem>>) offsets(%dma_start3A_123 : memref<80xi32, #tpu.memory_space<vmem>>) semaphore(%dma_start3A_128 : memref<!tpu.dma_semaphore, #tpu.memory_space<semaphore_mem>>)
        } else {
        }
        %mul3A_100 = arith.constant 80 : i32
        %mul3A_101 = arith.muli %while3A_81, %mul3A_100 : i32
        %sub3A_102 = arith.subi %scan3A_23, %mul3A_101 : i32
        %min3A = arith.constant 80 : i32
        %min3A_103 = arith.minsi %min3A, %sub3A_102 : i32
        %while3A_104 = arith.constant 0 : i32
        %while3A_105 = arith.constant 0 : i32
        %while3A_106 = arith.subi %min3A_103, %while3A_105 : i32
        %while3A_107 = arith.addi %while3A_105, %while3A_106 : i32
        %while3A_108 = arith.constant 1 : i32
        %while3A_109 = arith.divsi %while3A_106, %while3A_108 : i32
        %while3A_110 = arith.muli %while3A_109, %while3A_108 : i32
        %while3A_111 = arith.addi %while3A_105, %while3A_110 : i32
        %while3A_112 = arith.constant 1 : i32
        scf.for %while3A_114 = %while3A_105 to %while3A_111 step %while3A_112  : i32 {
          %mul3A_115 = arith.constant 80 : i32
          %mul3A_116 = arith.muli %while3A_81, %mul3A_115 : i32
          %add3A_117 = arith.addi %mul3A_116, %while3A_114 : i32
          %get3A = arith.index_cast %add3A_117 : i32 to index
          %get3A_118 = tpu.vector_load %arg12[%get3A] {strides = array<i32>} : memref<8080xi32, #tpu.memory_space<vmem>>, vector<16xi32>,
          %slice3A = vector.extract_strided_slice %get3A_118 {offsets = [0], sizes = [1], strides = [1]} : vector<16xi32> to vector<1xi32>
          %squeeze3A = vector.extract %slice3A[0] : i32 from vector<1xi32>
          %get3A_119 = arith.index_cast %add3A_117 : i32 to index
          %get3A_120 = tpu.vector_load %arg10[%get3A_119] {strides = array<i32>} : memref<8080xi32, #tpu.memory_space<vmem>>, vector<16xi32>,
          %slice3A_121 = vector.extract_strided_slice %get3A_120 {offsets = [0], sizes = [1], strides = [1]} : vector<16xi32> to vector<1xi32>
          %squeeze3A_122 = vector.extract %slice3A_121[0] : i32 from vector<1xi32>
          %get3A_123 = arith.index_cast %add3A_117 : i32 to index
          %get3A_124 = tpu.vector_load %arg11[%get3A_123] {strides = array<i32>} : memref<8080xi32, #tpu.memory_space<vmem>>, vector<16xi32>,
          %slice3A_125 = vector.extract_strided_slice %get3A_124 {offsets = [0], sizes = [1], strides = [1]} : vector<16xi32> to vector<1xi32>
          %squeeze3A_126 = vector.extract %slice3A_125[0] : i32 from vector<1xi32>
          %get3A_127 = arith.index_cast %squeeze3A_126 : i32 to index
          %get3A_128 = tpu.vector_load %arg7[%get3A_127] {strides = array<i32>} : memref<10016xi32, #tpu.memory_space<vmem>>, vector<16xi32>,
          %slice3A_129 = vector.extract_strided_slice %get3A_128 {offsets = [0], sizes = [1], strides = [1]} : vector<16xi32> to vector<1xi32>
          %squeeze3A_130 = vector.extract %slice3A_129[0] : i32 from vector<1xi32>
          %convert_element_type3A_131 = arith.sitofp %squeeze3A_130 : i32 to f32
          %and3A_132 = arith.constant 7 : i32
          %and3A_133 = arith.andi %squeeze3A, %and3A_132 : i32
          %mul3A_134 = arith.constant 16 : i32
          %mul3A_135 = arith.muli %and3A_133, %mul3A_134 : i32
          %get3A_136 = arith.index_cast %and3A_83 : i32 to index
          %get3A_137 = arith.index_cast %while3A_114 : i32 to index
          %get3A_138 = arith.index_cast %mul3A_135 : i32 to index
          %get3A_139 = tpu.vector_load %arg14[%get3A_136, %get3A_137, %get3A_138] {strides = array<i32>} : memref<2x80x128xf32, #tpu.memory_space<vmem>>, vector<16xf32>,
          %get3A_140 = arith.index_cast %squeeze3A_122 : i32 to index
          %get3A_141 = arith.constant 0 : index
          %get3A_142 = tpu.vector_load %arg15[%get3A_140, %get3A_141] {strides = array<i32>} : memref<320x16xf32, #tpu.memory_space<vmem>>, vector<16xf32>,
          %add3A_143 = arith.addf %get3A_142, %get3A_139 : vector<16xf32>
          %mul3A_144 = vector.broadcast %convert_element_type3A_131 : f32 to vector<16xf32>
          %mul3A_145 = arith.mulf %mul3A_144, %convert_element_type3A_68 : vector<16xf32>
          %add3A_146 = arith.addf %add3A_143, %mul3A_145 : vector<16xf32>
          %swap3A_147 = arith.index_cast %squeeze3A_122 : i32 to index
          %swap3A_148 = arith.constant 0 : index
          %swap3A_149 = tpu.vector_load %arg15[%swap3A_147, %swap3A_148] {strides = array<i32>} : memref<320x16xf32, #tpu.memory_space<vmem>>, vector<16xf32>,
          tpu.vector_store %arg15[%swap3A_147, %swap3A_148], %add3A_146 {strides = array<i32>} : memref<320x16xf32, #tpu.memory_space<vmem>>, vector<16xf32>,
        }
        %while3A_113 = arith.constant 1 : i32
        scf.for %while3A_114 = %while3A_111 to %while3A_107 step %while3A_113  : i32 {
          %mul3A_115 = arith.constant 80 : i32
          %mul3A_116 = arith.muli %while3A_81, %mul3A_115 : i32
          %add3A_117 = arith.addi %mul3A_116, %while3A_114 : i32
          %get3A = arith.index_cast %add3A_117 : i32 to index
          %get3A_118 = tpu.vector_load %arg12[%get3A] {strides = array<i32>} : memref<8080xi32, #tpu.memory_space<vmem>>, vector<16xi32>,
          %slice3A = vector.extract_strided_slice %get3A_118 {offsets = [0], sizes = [1], strides = [1]} : vector<16xi32> to vector<1xi32>
          %squeeze3A = vector.extract %slice3A[0] : i32 from vector<1xi32>
          %get3A_119 = arith.index_cast %add3A_117 : i32 to index
          %get3A_120 = tpu.vector_load %arg10[%get3A_119] {strides = array<i32>} : memref<8080xi32, #tpu.memory_space<vmem>>, vector<16xi32>,
          %slice3A_121 = vector.extract_strided_slice %get3A_120 {offsets = [0], sizes = [1], strides = [1]} : vector<16xi32> to vector<1xi32>
          %squeeze3A_122 = vector.extract %slice3A_121[0] : i32 from vector<1xi32>
          %get3A_123 = arith.index_cast %add3A_117 : i32 to index
          %get3A_124 = tpu.vector_load %arg11[%get3A_123] {strides = array<i32>} : memref<8080xi32, #tpu.memory_space<vmem>>, vector<16xi32>,
          %slice3A_125 = vector.extract_strided_slice %get3A_124 {offsets = [0], sizes = [1], strides = [1]} : vector<16xi32> to vector<1xi32>
          %squeeze3A_126 = vector.extract %slice3A_125[0] : i32 from vector<1xi32>
          %get3A_127 = arith.index_cast %squeeze3A_126 : i32 to index
          %get3A_128 = tpu.vector_load %arg7[%get3A_127] {strides = array<i32>} : memref<10016xi32, #tpu.memory_space<vmem>>, vector<16xi32>,
          %slice3A_129 = vector.extract_strided_slice %get3A_128 {offsets = [0], sizes = [1], strides = [1]} : vector<16xi32> to vector<1xi32>
          %squeeze3A_130 = vector.extract %slice3A_129[0] : i32 from vector<1xi32>
          %convert_element_type3A_131 = arith.sitofp %squeeze3A_130 : i32 to f32
          %and3A_132 = arith.constant 7 : i32
          %and3A_133 = arith.andi %squeeze3A, %and3A_132 : i32
          %mul3A_134 = arith.constant 16 : i32
          %mul3A_135 = arith.muli %and3A_133, %mul3A_134 : i32
          %get3A_136 = arith.index_cast %and3A_83 : i32 to index
          %get3A_137 = arith.index_cast %while3A_114 : i32 to index
          %get3A_138 = arith.index_cast %mul3A_135 : i32 to index
          %get3A_139 = tpu.vector_load %arg14[%get3A_136, %get3A_137, %get3A_138] {strides = array<i32>} : memref<2x80x128xf32, #tpu.memory_space<vmem>>, vector<16xf32>,
          %get3A_140 = arith.index_cast %squeeze3A_122 : i32 to index
          %get3A_141 = arith.constant 0 : index
          %get3A_142 = tpu.vector_load %arg15[%get3A_140, %get3A_141] {strides = array<i32>} : memref<320x16xf32, #tpu.memory_space<vmem>>, vector<16xf32>,
          %add3A_143 = arith.addf %get3A_142, %get3A_139 : vector<16xf32>
          %mul3A_144 = vector.broadcast %convert_element_type3A_131 : f32 to vector<16xf32>
          %mul3A_145 = arith.mulf %mul3A_144, %convert_element_type3A_68 : vector<16xf32>
          %add3A_146 = arith.addf %add3A_143, %mul3A_145 : vector<16xf32>
          %swap3A_147 = arith.index_cast %squeeze3A_122 : i32 to index
          %swap3A_148 = arith.constant 0 : index
          %swap3A_149 = tpu.vector_load %arg15[%swap3A_147, %swap3A_148] {strides = array<i32>} : memref<320x16xf32, #tpu.memory_space<vmem>>, vector<16xf32>,
          tpu.vector_store %arg15[%swap3A_147, %swap3A_148], %add3A_146 {strides = array<i32>} : memref<320x16xf32, #tpu.memory_space<vmem>>, vector<16xf32>,
        }
      }
      %while3A_80 = arith.constant 1 : i32
      scf.for %while3A_81 = %while3A_78 to %while3A_74 step %while3A_80  : i32 {
        %and3A_82 = arith.constant 1 : i32
        %and3A_83 = arith.andi %while3A_81, %and3A_82 : i32
        %mul3A_84 = arith.constant 80 : i32
        %mul3A_85 = arith.muli %while3A_81, %mul3A_84 : i32
        %dma_wait3A = arith.constant 0 : i32
        %dma_wait3A_86 = arith.constant 0 : i32
        %dma_wait3A_87 = tpu.memref_slice %arg14[%and3A_83, %dma_wait3A, %dma_wait3A_86] : memref<2x80x128xf32, #tpu.memory_space<vmem>> -> memref<1x80x128xf32, #tpu.memory_space<vmem>>
        %dma_wait3A_88 = tpu.memref_squeeze %dma_wait3A_87 : memref<1x80x128xf32, #tpu.memory_space<vmem>> -> memref<80x128xf32, #tpu.memory_space<vmem>>
        %dma_wait3A_89 = tpu.memref_slice %arg13[%mul3A_85] : memref<8080xi32, #tpu.memory_space<vmem>> -> memref<80xi32, #tpu.memory_space<vmem>>
        %dma_wait3A_90 = arith.constant 0 : i32
        %dma_wait3A_91 = arith.constant 0 : i32
        %dma_wait3A_92 = tpu.memref_slice %arg4[%dma_wait3A_90, %dma_wait3A_91] : memref<40000x128xf32, #tpu.memory_space<hbm>> -> memref<40000x128xf32, #tpu.memory_space<hbm>>
        %dma_wait3A_93 = tpu.memref_slice %arg16[%and3A_83] : memref<2x!tpu.dma_semaphore, #tpu.memory_space<semaphore_mem>> -> memref<1x!tpu.dma_semaphore, #tpu.memory_space<semaphore_mem>>
        %dma_wait3A_94 = tpu.memref_squeeze %dma_wait3A_93 : memref<1x!tpu.dma_semaphore, #tpu.memory_space<semaphore_mem>> -> memref<!tpu.dma_semaphore, #tpu.memory_space<semaphore_mem>>
        tpu.wait_indirect_dma semaphore(%dma_wait3A_94 : memref<!tpu.dma_semaphore, #tpu.memory_space<semaphore_mem>>) src(%dma_wait3A_92 : memref<40000x128xf32, #tpu.memory_space<hbm>>) dst(%dma_wait3A_88 : memref<80x128xf32, #tpu.memory_space<vmem>>)
        %add3A_95 = arith.constant 1 : i32
        %add3A_96 = arith.addi %while3A_81, %add3A_95 : i32
        %lt3A = arith.cmpi slt, %add3A_96, %select_n3A : i32
        %convert_element_type3A_97 = arith.extui %lt3A : i1 to i32
        %cond3A_98 = arith.constant 0 : i32
        %cond3A_99 = arith.cmpi ne, %convert_element_type3A_97, %cond3A_98 : i32
        scf.if %cond3A_99 {
          %sub3A_114 = arith.constant 1 : i32
          %sub3A_115 = arith.subi %sub3A_114, %and3A_83 : i32
          %add3A_116 = arith.constant 1 : i32
          %add3A_117 = arith.addi %while3A_81, %add3A_116 : i32
          %mul3A_118 = arith.constant 80 : i32
          %mul3A_119 = arith.muli %add3A_117, %mul3A_118 : i32
          %dma_start3A = arith.constant 0 : i32
          %dma_start3A_120 = arith.constant 0 : i32
          %dma_start3A_121 = tpu.memref_slice %arg14[%sub3A_115, %dma_start3A, %dma_start3A_120] : memref<2x80x128xf32, #tpu.memory_space<vmem>> -> memref<1x80x128xf32, #tpu.memory_space<vmem>>
          %dma_start3A_122 = tpu.memref_squeeze %dma_start3A_121 : memref<1x80x128xf32, #tpu.memory_space<vmem>> -> memref<80x128xf32, #tpu.memory_space<vmem>>
          %dma_start3A_123 = tpu.memref_slice %arg13[%mul3A_119] : memref<8080xi32, #tpu.memory_space<vmem>> -> memref<80xi32, #tpu.memory_space<vmem>>
          %dma_start3A_124 = arith.constant 0 : i32
          %dma_start3A_125 = arith.constant 0 : i32
          %dma_start3A_126 = tpu.memref_slice %arg4[%dma_start3A_124, %dma_start3A_125] : memref<40000x128xf32, #tpu.memory_space<hbm>> -> memref<40000x128xf32, #tpu.memory_space<hbm>>
          %dma_start3A_127 = tpu.memref_slice %arg16[%sub3A_115] : memref<2x!tpu.dma_semaphore, #tpu.memory_space<semaphore_mem>> -> memref<1x!tpu.dma_semaphore, #tpu.memory_space<semaphore_mem>>
          %dma_start3A_128 = tpu.memref_squeeze %dma_start3A_127 : memref<1x!tpu.dma_semaphore, #tpu.memory_space<semaphore_mem>> -> memref<!tpu.dma_semaphore, #tpu.memory_space<semaphore_mem>>
          tpu.enqueue_indirect_dma source(%dma_start3A_126 : memref<40000x128xf32, #tpu.memory_space<hbm>>) target(%dma_start3A_122 : memref<80x128xf32, #tpu.memory_space<vmem>>) offsets(%dma_start3A_123 : memref<80xi32, #tpu.memory_space<vmem>>) semaphore(%dma_start3A_128 : memref<!tpu.dma_semaphore, #tpu.memory_space<semaphore_mem>>)
        } else {
        }
        %mul3A_100 = arith.constant 80 : i32
        %mul3A_101 = arith.muli %while3A_81, %mul3A_100 : i32
        %sub3A_102 = arith.subi %scan3A_23, %mul3A_101 : i32
        %min3A = arith.constant 80 : i32
        %min3A_103 = arith.minsi %min3A, %sub3A_102 : i32
        %while3A_104 = arith.constant 0 : i32
        %while3A_105 = arith.constant 0 : i32
        %while3A_106 = arith.subi %min3A_103, %while3A_105 : i32
        %while3A_107 = arith.addi %while3A_105, %while3A_106 : i32
        %while3A_108 = arith.constant 1 : i32
        %while3A_109 = arith.divsi %while3A_106, %while3A_108 : i32
        %while3A_110 = arith.muli %while3A_109, %while3A_108 : i32
        %while3A_111 = arith.addi %while3A_105, %while3A_110 : i32
        %while3A_112 = arith.constant 1 : i32
        scf.for %while3A_114 = %while3A_105 to %while3A_111 step %while3A_112  : i32 {
          %mul3A_115 = arith.constant 80 : i32
          %mul3A_116 = arith.muli %while3A_81, %mul3A_115 : i32
          %add3A_117 = arith.addi %mul3A_116, %while3A_114 : i32
          %get3A = arith.index_cast %add3A_117 : i32 to index
          %get3A_118 = tpu.vector_load %arg12[%get3A] {strides = array<i32>} : memref<8080xi32, #tpu.memory_space<vmem>>, vector<16xi32>,
          %slice3A = vector.extract_strided_slice %get3A_118 {offsets = [0], sizes = [1], strides = [1]} : vector<16xi32> to vector<1xi32>
          %squeeze3A = vector.extract %slice3A[0] : i32 from vector<1xi32>
          %get3A_119 = arith.index_cast %add3A_117 : i32 to index
          %get3A_120 = tpu.vector_load %arg10[%get3A_119] {strides = array<i32>} : memref<8080xi32, #tpu.memory_space<vmem>>, vector<16xi32>,
          %slice3A_121 = vector.extract_strided_slice %get3A_120 {offsets = [0], sizes = [1], strides = [1]} : vector<16xi32> to vector<1xi32>
          %squeeze3A_122 = vector.extract %slice3A_121[0] : i32 from vector<1xi32>
          %get3A_123 = arith.index_cast %add3A_117 : i32 to index
          %get3A_124 = tpu.vector_load %arg11[%get3A_123] {strides = array<i32>} : memref<8080xi32, #tpu.memory_space<vmem>>, vector<16xi32>,
          %slice3A_125 = vector.extract_strided_slice %get3A_124 {offsets = [0], sizes = [1], strides = [1]} : vector<16xi32> to vector<1xi32>
          %squeeze3A_126 = vector.extract %slice3A_125[0] : i32 from vector<1xi32>
          %get3A_127 = arith.index_cast %squeeze3A_126 : i32 to index
          %get3A_128 = tpu.vector_load %arg7[%get3A_127] {strides = array<i32>} : memref<10016xi32, #tpu.memory_space<vmem>>, vector<16xi32>,
          %slice3A_129 = vector.extract_strided_slice %get3A_128 {offsets = [0], sizes = [1], strides = [1]} : vector<16xi32> to vector<1xi32>
          %squeeze3A_130 = vector.extract %slice3A_129[0] : i32 from vector<1xi32>
          %convert_element_type3A_131 = arith.sitofp %squeeze3A_130 : i32 to f32
          %and3A_132 = arith.constant 7 : i32
          %and3A_133 = arith.andi %squeeze3A, %and3A_132 : i32
          %mul3A_134 = arith.constant 16 : i32
          %mul3A_135 = arith.muli %and3A_133, %mul3A_134 : i32
          %get3A_136 = arith.index_cast %and3A_83 : i32 to index
          %get3A_137 = arith.index_cast %while3A_114 : i32 to index
          %get3A_138 = arith.index_cast %mul3A_135 : i32 to index
          %get3A_139 = tpu.vector_load %arg14[%get3A_136, %get3A_137, %get3A_138] {strides = array<i32>} : memref<2x80x128xf32, #tpu.memory_space<vmem>>, vector<16xf32>,
          %get3A_140 = arith.index_cast %squeeze3A_122 : i32 to index
          %get3A_141 = arith.constant 0 : index
          %get3A_142 = tpu.vector_load %arg15[%get3A_140, %get3A_141] {strides = array<i32>} : memref<320x16xf32, #tpu.memory_space<vmem>>, vector<16xf32>,
          %add3A_143 = arith.addf %get3A_142, %get3A_139 : vector<16xf32>
          %mul3A_144 = vector.broadcast %convert_element_type3A_131 : f32 to vector<16xf32>
          %mul3A_145 = arith.mulf %mul3A_144, %convert_element_type3A_68 : vector<16xf32>
          %add3A_146 = arith.addf %add3A_143, %mul3A_145 : vector<16xf32>
          %swap3A_147 = arith.index_cast %squeeze3A_122 : i32 to index
          %swap3A_148 = arith.constant 0 : index
          %swap3A_149 = tpu.vector_load %arg15[%swap3A_147, %swap3A_148] {strides = array<i32>} : memref<320x16xf32, #tpu.memory_space<vmem>>, vector<16xf32>,
          tpu.vector_store %arg15[%swap3A_147, %swap3A_148], %add3A_146 {strides = array<i32>} : memref<320x16xf32, #tpu.memory_space<vmem>>, vector<16xf32>,
        }
        %while3A_113 = arith.constant 1 : i32
        scf.for %while3A_114 = %while3A_111 to %while3A_107 step %while3A_113  : i32 {
          %mul3A_115 = arith.constant 80 : i32
          %mul3A_116 = arith.muli %while3A_81, %mul3A_115 : i32
          %add3A_117 = arith.addi %mul3A_116, %while3A_114 : i32
          %get3A = arith.index_cast %add3A_117 : i32 to index
          %get3A_118 = tpu.vector_load %arg12[%get3A] {strides = array<i32>} : memref<8080xi32, #tpu.memory_space<vmem>>, vector<16xi32>,
          %slice3A = vector.extract_strided_slice %get3A_118 {offsets = [0], sizes = [1], strides = [1]} : vector<16xi32> to vector<1xi32>
          %squeeze3A = vector.extract %slice3A[0] : i32 from vector<1xi32>
          %get3A_119 = arith.index_cast %add3A_117 : i32 to index
          %get3A_120 = tpu.vector_load %arg10[%get3A_119] {strides = array<i32>} : memref<8080xi32, #tpu.memory_space<vmem>>, vector<16xi32>,
          %slice3A_121 = vector.extract_strided_slice %get3A_120 {offsets = [0], sizes = [1], strides = [1]} : vector<16xi32> to vector<1xi32>
          %squeeze3A_122 = vector.extract %slice3A_121[0] : i32 from vector<1xi32>
          %get3A_123 = arith.index_cast %add3A_117 : i32 to index
          %get3A_124 = tpu.vector_load %arg11[%get3A_123] {strides = array<i32>} : memref<8080xi32, #tpu.memory_space<vmem>>, vector<16xi32>,
          %slice3A_125 = vector.extract_strided_slice %get3A_124 {offsets = [0], sizes = [1], strides = [1]} : vector<16xi32> to vector<1xi32>
          %squeeze3A_126 = vector.extract %slice3A_125[0] : i32 from vector<1xi32>
          %get3A_127 = arith.index_cast %squeeze3A_126 : i32 to index
          %get3A_128 = tpu.vector_load %arg7[%get3A_127] {strides = array<i32>} : memref<10016xi32, #tpu.memory_space<vmem>>, vector<16xi32>,
          %slice3A_129 = vector.extract_strided_slice %get3A_128 {offsets = [0], sizes = [1], strides = [1]} : vector<16xi32> to vector<1xi32>
          %squeeze3A_130 = vector.extract %slice3A_129[0] : i32 from vector<1xi32>
          %convert_element_type3A_131 = arith.sitofp %squeeze3A_130 : i32 to f32
          %and3A_132 = arith.constant 7 : i32
          %and3A_133 = arith.andi %squeeze3A, %and3A_132 : i32
          %mul3A_134 = arith.constant 16 : i32
          %mul3A_135 = arith.muli %and3A_133, %mul3A_134 : i32
          %get3A_136 = arith.index_cast %and3A_83 : i32 to index
          %get3A_137 = arith.index_cast %while3A_114 : i32 to index
          %get3A_138 = arith.index_cast %mul3A_135 : i32 to index
          %get3A_139 = tpu.vector_load %arg14[%get3A_136, %get3A_137, %get3A_138] {strides = array<i32>} : memref<2x80x128xf32, #tpu.memory_space<vmem>>, vector<16xf32>,
          %get3A_140 = arith.index_cast %squeeze3A_122 : i32 to index
          %get3A_141 = arith.constant 0 : index
          %get3A_142 = tpu.vector_load %arg15[%get3A_140, %get3A_141] {strides = array<i32>} : memref<320x16xf32, #tpu.memory_space<vmem>>, vector<16xf32>,
          %add3A_143 = arith.addf %get3A_142, %get3A_139 : vector<16xf32>
          %mul3A_144 = vector.broadcast %convert_element_type3A_131 : f32 to vector<16xf32>
          %mul3A_145 = arith.mulf %mul3A_144, %convert_element_type3A_68 : vector<16xf32>
          %add3A_146 = arith.addf %add3A_143, %mul3A_145 : vector<16xf32>
          %swap3A_147 = arith.index_cast %squeeze3A_122 : i32 to index
          %swap3A_148 = arith.constant 0 : index
          %swap3A_149 = tpu.vector_load %arg15[%swap3A_147, %swap3A_148] {strides = array<i32>} : memref<320x16xf32, #tpu.memory_space<vmem>>, vector<16xf32>,
          tpu.vector_store %arg15[%swap3A_147, %swap3A_148], %add3A_146 {strides = array<i32>} : memref<320x16xf32, #tpu.memory_space<vmem>>, vector<16xf32>,
        }
      }
    }
    %scan3A_14 = arith.constant 40 : i32
    "tpu.region"() ({
      %run_scoped3A = tpu.sem_alloc : memref<!tpu.dma_semaphore, #tpu.memory_space<semaphore_mem>>
      %dma_start3A = arith.constant 0 : i32
      %dma_start3A_15 = tpu.memref_slice %arg6[%mul3A_2, %dma_start3A] : memref<10240x16xf32, #tpu.memory_space<hbm>> -> memref<320x16xf32, #tpu.memory_space<hbm>>
      %dma_start3A_16 = arith.constant 0 : i32
      %dma_start3A_17 = tpu.memref_slice %arg6[%mul3A_2, %dma_start3A_16] : memref<10240x16xf32, #tpu.memory_space<hbm>> -> memref<320x16xf32, #tpu.memory_space<hbm>>
      tpu.enqueue_dma source(%arg15 : memref<320x16xf32, #tpu.memory_space<vmem>>) target(%dma_start3A_17 : memref<320x16xf32, #tpu.memory_space<hbm>>) target_semaphore(%run_scoped3A : memref<!tpu.dma_semaphore, #tpu.memory_space<semaphore_mem>>)
      %dma_wait3A = arith.constant 0 : i32
      %dma_wait3A_18 = tpu.memref_slice %arg6[%mul3A_2, %dma_wait3A] : memref<10240x16xf32, #tpu.memory_space<hbm>> -> memref<320x16xf32, #tpu.memory_space<hbm>>
      %dma_wait3A_19 = arith.constant 0 : i32
      %dma_wait3A_20 = tpu.memref_slice %arg6[%mul3A_2, %dma_wait3A_19] : memref<10240x16xf32, #tpu.memory_space<hbm>> -> memref<320x16xf32, #tpu.memory_space<hbm>>
      tpu.wait_dma2 semaphore(%run_scoped3A : memref<!tpu.dma_semaphore, #tpu.memory_space<semaphore_mem>>) src(%arg15 : memref<320x16xf32, #tpu.memory_space<vmem>>) dst(%dma_wait3A_20 : memref<320x16xf32, #tpu.memory_space<hbm>>)
      tpu.yield
    }) : () -> ()
    return
  }
}

module attributes {stable_mosaic.version = 14 : i64} {
  func.func @_b_body(%arg0: i32, %arg1: memref<400x256xf32, #tpu.memory_space<vmem>>, %arg2: memref<1x256xf32, #tpu.memory_space<vmem>>, %arg3: memref<1x256xf32, #tpu.memory_space<vmem>>, %arg4: memref<1x256xf32, #tpu.memory_space<vmem>>, %arg5: memref<1x256xf32, #tpu.memory_space<vmem>>, %arg6: memref<256x128xf32, #tpu.memory_space<vmem>>, %arg7: memref<1x128xf32, #tpu.memory_space<vmem>>, %arg8: memref<400x128xf32, #tpu.memory_space<vmem>>) attributes {dimension_semantics = [#tpu.dimension_semantics<arbitrary>], iteration_bounds = array<i64: 25>, scalar_prefetch = 0 : i64, scratch_operands = 0 : i64, tpu.core_type = #tpu.core_type<tc>, window_params = [{transform_indices = @transform_0, window_bounds = array<i64: 400, 256>}, {pipeline_mode = #tpu.pipeline_mode<synchronous>, transform_indices = @transform_1, window_bounds = array<i64: 1, 256>}, {pipeline_mode = #tpu.pipeline_mode<synchronous>, transform_indices = @transform_2, window_bounds = array<i64: 1, 256>}, {pipeline_mode = #tpu.pipeline_mode<synchronous>, transform_indices = @transform_3, window_bounds = array<i64: 1, 256>}, {pipeline_mode = #tpu.pipeline_mode<synchronous>, transform_indices = @transform_4, window_bounds = array<i64: 1, 256>}, {pipeline_mode = #tpu.pipeline_mode<synchronous>, transform_indices = @transform_5, window_bounds = array<i64: 256, 128>}, {pipeline_mode = #tpu.pipeline_mode<synchronous>, transform_indices = @transform_6, window_bounds = array<i64: 1, 128>}, {transform_indices = @transform_7, window_bounds = array<i64: 400, 128>}]} {
    %get3A = arith.constant 0 : index
    %get3A_0 = arith.constant 0 : index
    %get3A_1 = vector.load %arg2[%get3A, %get3A_0] : memref<1x256xf32, #tpu.memory_space<vmem>>, vector<1x256xf32>
    %mul3A = arith.constant 9.99999974E-5 : f32
    %mul3A_2 = vector.broadcast %mul3A : f32 to vector<1x256xf32>
    %mul3A_3 = arith.mulf %get3A_1, %mul3A_2 : vector<1x256xf32>
    %get3A_4 = arith.constant 0 : index
    %get3A_5 = arith.constant 0 : index
    %get3A_6 = vector.load %arg3[%get3A_4, %get3A_5] : memref<1x256xf32, #tpu.memory_space<vmem>>, vector<1x256xf32>
    %mul3A_7 = arith.constant 9.99999974E-5 : f32
    %mul3A_8 = vector.broadcast %mul3A_7 : f32 to vector<1x256xf32>
    %mul3A_9 = arith.mulf %get3A_6, %mul3A_8 : vector<1x256xf32>
    %mul3A_10 = arith.mulf %mul3A_3, %mul3A_3 : vector<1x256xf32>
    %sub3A = arith.subf %mul3A_9, %mul3A_10 : vector<1x256xf32>
    %add3A = arith.constant 9.99999974E-6 : f32
    %add3A_11 = vector.broadcast %add3A : f32 to vector<1x256xf32>
    %add3A_12 = arith.addf %sub3A, %add3A_11 : vector<1x256xf32>
    %rsqrt3A = math.rsqrt %add3A_12 : vector<1x256xf32>
    %get3A_13 = arith.constant 0 : index
    %get3A_14 = arith.constant 0 : index
    %get3A_15 = vector.load %arg1[%get3A_13, %get3A_14] : memref<400x256xf32, #tpu.memory_space<vmem>>, vector<400x256xf32>
    %sub3A_16 = vector.broadcast %mul3A_3 : vector<1x256xf32> to vector<400x256xf32>
    %sub3A_17 = arith.subf %get3A_15, %sub3A_16 : vector<400x256xf32>
    %get3A_18 = arith.constant 0 : index
    %get3A_19 = arith.constant 0 : index
    %get3A_20 = vector.load %arg4[%get3A_18, %get3A_19] : memref<1x256xf32, #tpu.memory_space<vmem>>, vector<1x256xf32>
    %mul3A_21 = arith.mulf %rsqrt3A, %get3A_20 : vector<1x256xf32>
    %mul3A_22 = vector.broadcast %mul3A_21 : vector<1x256xf32> to vector<400x256xf32>
    %mul3A_23 = arith.mulf %sub3A_17, %mul3A_22 : vector<400x256xf32>
    %get3A_24 = arith.constant 0 : index
    %get3A_25 = arith.constant 0 : index
    %get3A_26 = vector.load %arg5[%get3A_24, %get3A_25] : memref<1x256xf32, #tpu.memory_space<vmem>>, vector<1x256xf32>
    %add3A_27 = vector.broadcast %get3A_26 : vector<1x256xf32> to vector<400x256xf32>
    %add3A_28 = arith.addf %mul3A_23, %add3A_27 : vector<400x256xf32>
    %max3A = arith.constant 0.000000e+00 : f32
    %max3A_29 = vector.broadcast %max3A : f32 to vector<400x256xf32>
    %max3A_30 = arith.maximumf %add3A_28, %max3A_29 : vector<400x256xf32>
    %get3A_31 = arith.constant 0 : index
    %get3A_32 = arith.constant 0 : index
    %get3A_33 = vector.load %arg6[%get3A_31, %get3A_32] : memref<256x128xf32, #tpu.memory_space<vmem>>, vector<256x128xf32>
    %dot_general3A = arith.constant dense<0.000000e+00> : vector<400x128xf32>
    %dot_general3A_34 = tpu.matmul %max3A_30, %get3A_33, %dot_general3A {dimension_numbers = #tpu.dot_dimension_numbers<[1], [0], [0], [1], [0, 0, 1, 1], [], []>, transpose_lhs_hint = false} : vector<400x256xf32>, vector<256x128xf32>, vector<400x128xf32> -> vector<400x128xf32>
    %get3A_35 = arith.constant 0 : index
    %get3A_36 = arith.constant 0 : index
    %get3A_37 = vector.load %arg7[%get3A_35, %get3A_36] : memref<1x128xf32, #tpu.memory_space<vmem>>, vector<1x128xf32>
    %add3A_38 = vector.broadcast %get3A_37 : vector<1x128xf32> to vector<400x128xf32>
    %add3A_39 = arith.addf %dot_general3A_34, %add3A_38 : vector<400x128xf32>
    %max3A_40 = arith.constant 0.000000e+00 : f32
    %max3A_41 = vector.broadcast %max3A_40 : f32 to vector<400x128xf32>
    %max3A_42 = arith.maximumf %add3A_39, %max3A_41 : vector<400x128xf32>
    %swap3A = arith.constant 0 : index
    %swap3A_43 = arith.constant 0 : index
    %swap3A_44 = vector.load %arg8[%swap3A, %swap3A_43] : memref<400x128xf32, #tpu.memory_space<vmem>>, vector<400x128xf32>
    tpu.vector_store %arg8[%swap3A, %swap3A_43], %max3A_42 {strides = array<i32>} : memref<400x128xf32, #tpu.memory_space<vmem>>, vector<400x128xf32>,
    return
  }
  func.func @transform_0(%arg0: i32) -> (i32, i32) {
    %c0_i32 = arith.constant 0 : i32
    %c0_i32_0 = arith.constant 0 : i32
    return %arg0, %c0_i32 : i32, i32
  }
  func.func @transform_1(%arg0: i32) -> (i32, i32) {
    %c0_i32 = arith.constant 0 : i32
    %c0_i32_0 = arith.constant 0 : i32
    %c0_i32_1 = arith.constant 0 : i32
    return %c0_i32, %c0_i32_0 : i32, i32
  }
  func.func @transform_2(%arg0: i32) -> (i32, i32) {
    %c0_i32 = arith.constant 0 : i32
    %c0_i32_0 = arith.constant 0 : i32
    %c0_i32_1 = arith.constant 0 : i32
    return %c0_i32, %c0_i32_0 : i32, i32
  }
  func.func @transform_3(%arg0: i32) -> (i32, i32) {
    %c0_i32 = arith.constant 0 : i32
    %c0_i32_0 = arith.constant 0 : i32
    %c0_i32_1 = arith.constant 0 : i32
    return %c0_i32, %c0_i32_0 : i32, i32
  }
  func.func @transform_4(%arg0: i32) -> (i32, i32) {
    %c0_i32 = arith.constant 0 : i32
    %c0_i32_0 = arith.constant 0 : i32
    %c0_i32_1 = arith.constant 0 : i32
    return %c0_i32, %c0_i32_0 : i32, i32
  }
  func.func @transform_5(%arg0: i32) -> (i32, i32) {
    %c0_i32 = arith.constant 0 : i32
    %c0_i32_0 = arith.constant 0 : i32
    %c0_i32_1 = arith.constant 0 : i32
    return %c0_i32, %c0_i32_0 : i32, i32
  }
  func.func @transform_6(%arg0: i32) -> (i32, i32) {
    %c0_i32 = arith.constant 0 : i32
    %c0_i32_0 = arith.constant 0 : i32
    %c0_i32_1 = arith.constant 0 : i32
    return %c0_i32, %c0_i32_0 : i32, i32
  }
  func.func @transform_7(%arg0: i32) -> (i32, i32) {
    %c0_i32 = arith.constant 0 : i32
    %c0_i32_0 = arith.constant 0 : i32
    return %arg0, %c0_i32 : i32, i32
  }
}

module attributes {stable_mosaic.version = 14 : i64} {
  func.func @_a0_body(%arg0: i32, %arg1: memref<400x16xf32, #tpu.memory_space<vmem>>, %arg2: memref<400x1xf32, #tpu.memory_space<vmem>>, %arg3: memref<2x128xf32, #tpu.memory_space<vmem>>, %arg4: memref<1x16xf32, #tpu.memory_space<vmem>>, %arg5: memref<16x128xf32, #tpu.memory_space<vmem>>, %arg6: memref<1x128xf32, #tpu.memory_space<vmem>>, %arg7: memref<256x256xf32, #tpu.memory_space<vmem>>, %arg8: memref<1x256xf32, #tpu.memory_space<vmem>>, %arg9: memref<400x256xf32, #tpu.memory_space<vmem>>, %arg10: memref<1x256xf32, #tpu.memory_space<vmem>>, %arg11: memref<1x256xf32, #tpu.memory_space<vmem>>) attributes {dimension_semantics = [#tpu.dimension_semantics<arbitrary>], iteration_bounds = array<i64: 25>, scalar_prefetch = 0 : i64, scratch_operands = 0 : i64, tpu.core_type = #tpu.core_type<tc>, window_params = [{transform_indices = @transform_0, window_bounds = array<i64: 400, 16>}, {transform_indices = @transform_1, window_bounds = array<i64: 400, 1>}, {pipeline_mode = #tpu.pipeline_mode<synchronous>, transform_indices = @transform_2, window_bounds = array<i64: 2, 128>}, {pipeline_mode = #tpu.pipeline_mode<synchronous>, transform_indices = @transform_3, window_bounds = array<i64: 1, 16>}, {pipeline_mode = #tpu.pipeline_mode<synchronous>, transform_indices = @transform_4, window_bounds = array<i64: 16, 128>}, {pipeline_mode = #tpu.pipeline_mode<synchronous>, transform_indices = @transform_5, window_bounds = array<i64: 1, 128>}, {pipeline_mode = #tpu.pipeline_mode<synchronous>, transform_indices = @transform_6, window_bounds = array<i64: 256, 256>}, {pipeline_mode = #tpu.pipeline_mode<synchronous>, transform_indices = @transform_7, window_bounds = array<i64: 1, 256>}, {transform_indices = @transform_8, window_bounds = array<i64: 400, 256>}, {pipeline_mode = #tpu.pipeline_mode<synchronous>, transform_indices = @transform_9, window_bounds = array<i64: 1, 256>}, {pipeline_mode = #tpu.pipeline_mode<synchronous>, transform_indices = @transform_10, window_bounds = array<i64: 1, 256>}]} {
    %get3A = arith.constant 0 : index
    %get3A_0 = arith.constant 0 : index
    %get3A_1 = vector.load %arg1[%get3A, %get3A_0] : memref<400x16xf32, #tpu.memory_space<vmem>>, vector<400x16xf32>
    %slice3A = vector.extract_strided_slice %get3A_1 {offsets = [0, 9], sizes = [400, 1], strides = [1, 1]} : vector<400x16xf32> to vector<400x1xf32>
    %add3A = arith.constant 1.000000e+00 : f32
    %add3A_2 = vector.broadcast %add3A : f32 to vector<400x1xf32>
    %add3A_3 = arith.addf %slice3A, %add3A_2 : vector<400x1xf32>
    %slice3A_4 = vector.extract_strided_slice %get3A_1 {offsets = [0, 10], sizes = [400, 1], strides = [1, 1]} : vector<400x16xf32> to vector<400x1xf32>
    %get3A_5 = arith.constant 0 : index
    %get3A_6 = arith.constant 0 : index
    %get3A_7 = vector.load %arg2[%get3A_5, %get3A_6] : memref<400x1xf32, #tpu.memory_space<vmem>>, vector<400x1xf32>
    %add3A_8 = arith.addf %slice3A_4, %get3A_7 : vector<400x1xf32>
    %get3A_9 = arith.constant 0 : index
    %get3A_10 = arith.constant 0 : index
    %get3A_11 = vector.load %arg3[%get3A_9, %get3A_10] : memref<2x128xf32, #tpu.memory_space<vmem>>, vector<1x128xf32>
    %get3A_12 = arith.constant 1 : index
    %get3A_13 = arith.constant 0 : index
    %get3A_14 = vector.load %arg3[%get3A_12, %get3A_13] : memref<2x128xf32, #tpu.memory_space<vmem>>, vector<1x128xf32>
    %sub3A = arith.subf %get3A_14, %get3A_11 : vector<1x128xf32>
    %mul3A = vector.broadcast %add3A_3 : vector<400x1xf32> to vector<400x128xf32>
    %mul3A_15 = vector.broadcast %get3A_11 : vector<1x128xf32> to vector<400x128xf32>
    %mul3A_16 = arith.mulf %mul3A, %mul3A_15 : vector<400x128xf32>
    %mul3A_17 = vector.broadcast %add3A_8 : vector<400x1xf32> to vector<400x128xf32>
    %mul3A_18 = vector.broadcast %sub3A : vector<1x128xf32> to vector<400x128xf32>
    %mul3A_19 = arith.mulf %mul3A_17, %mul3A_18 : vector<400x128xf32>
    %add3A_20 = arith.addf %mul3A_16, %mul3A_19 : vector<400x128xf32>
    %get3A_21 = arith.constant 0 : index
    %get3A_22 = arith.constant 0 : index
    %get3A_23 = vector.load %arg4[%get3A_21, %get3A_22] : memref<1x16xf32, #tpu.memory_space<vmem>>, vector<1x16xf32>
    %add3A_24 = vector.broadcast %get3A_23 : vector<1x16xf32> to vector<400x16xf32>
    %add3A_25 = arith.addf %get3A_1, %add3A_24 : vector<400x16xf32>
    %get3A_26 = arith.constant 0 : index
    %get3A_27 = arith.constant 0 : index
    %get3A_28 = vector.load %arg5[%get3A_26, %get3A_27] : memref<16x128xf32, #tpu.memory_space<vmem>>, vector<16x128xf32>
    %dot_general3A = arith.constant dense<0.000000e+00> : vector<400x128xf32>
    %dot_general3A_29 = tpu.matmul %add3A_25, %get3A_28, %dot_general3A {dimension_numbers = #tpu.dot_dimension_numbers<[1], [0], [0], [1], [0, 0, 1, 1], [], []>, transpose_lhs_hint = false} : vector<400x16xf32>, vector<16x128xf32>, vector<400x128xf32> -> vector<400x128xf32>
    %get3A_30 = arith.constant 0 : index
    %get3A_31 = arith.constant 0 : index
    %get3A_32 = vector.load %arg6[%get3A_30, %get3A_31] : memref<1x128xf32, #tpu.memory_space<vmem>>, vector<1x128xf32>
    %mul3A_33 = vector.broadcast %add3A_3 : vector<400x1xf32> to vector<400x128xf32>
    %mul3A_34 = vector.broadcast %get3A_32 : vector<1x128xf32> to vector<400x128xf32>
    %mul3A_35 = arith.mulf %mul3A_33, %mul3A_34 : vector<400x128xf32>
    %add3A_36 = arith.addf %dot_general3A_29, %mul3A_35 : vector<400x128xf32>
    %concatenate3A = tpu.concatenate %add3A_20, %add3A_36 in 1 : vector<400x128xf32>, vector<400x128xf32> -> vector<400x256xf32>
    %get3A_37 = arith.constant 0 : index
    %get3A_38 = arith.constant 0 : index
    %get3A_39 = vector.load %arg7[%get3A_37, %get3A_38] : memref<256x256xf32, #tpu.memory_space<vmem>>, vector<256x256xf32>
    %dot_general3A_40 = arith.constant dense<0.000000e+00> : vector<400x256xf32>
    %dot_general3A_41 = tpu.matmul %concatenate3A, %get3A_39, %dot_general3A_40 {dimension_numbers = #tpu.dot_dimension_numbers<[1], [0], [0], [1], [0, 0, 1, 1], [], []>, transpose_lhs_hint = false} : vector<400x256xf32>, vector<256x256xf32>, vector<400x256xf32> -> vector<400x256xf32>
    %get3A_42 = arith.constant 0 : index
    %get3A_43 = arith.constant 0 : index
    %get3A_44 = vector.load %arg8[%get3A_42, %get3A_43] : memref<1x256xf32, #tpu.memory_space<vmem>>, vector<1x256xf32>
    %add3A_45 = vector.broadcast %get3A_44 : vector<1x256xf32> to vector<400x256xf32>
    %add3A_46 = arith.addf %dot_general3A_41, %add3A_45 : vector<400x256xf32>
    %swap3A = arith.constant 0 : index
    %swap3A_47 = arith.constant 0 : index
    %swap3A_48 = vector.load %arg9[%swap3A, %swap3A_47] : memref<400x256xf32, #tpu.memory_space<vmem>>, vector<400x256xf32>
    tpu.vector_store %arg9[%swap3A, %swap3A_47], %add3A_46 {strides = array<i32>} : memref<400x256xf32, #tpu.memory_space<vmem>>, vector<400x256xf32>,
    %reduce_sum3A = arith.constant dense<0.000000e+00> : vector<256xf32>
    %reduce_sum3A_49 = vector.multi_reduction <add>, %add3A_46, %reduce_sum3A [0] : vector<400x256xf32> to vector<256xf32>
    %broadcast_in_dim3A = vector.shape_cast %reduce_sum3A_49 : vector<256xf32> to vector<1x256xf32>
    %mul3A_50 = arith.mulf %add3A_46, %add3A_46 : vector<400x256xf32>
    %reduce_sum3A_51 = arith.constant dense<0.000000e+00> : vector<256xf32>
    %reduce_sum3A_52 = vector.multi_reduction <add>, %mul3A_50, %reduce_sum3A_51 [0] : vector<400x256xf32> to vector<256xf32>
    %broadcast_in_dim3A_53 = vector.shape_cast %reduce_sum3A_52 : vector<256xf32> to vector<1x256xf32>
    %eq3A = arith.constant 0 : i32
    %eq3A_54 = arith.cmpi eq, %arg0, %eq3A : i32
    %convert_element_type3A = arith.extui %eq3A_54 : i1 to i32
    %cond3A = arith.constant 0 : i32
    %cond3A_55 = arith.cmpi ne, %convert_element_type3A, %cond3A : i32
    scf.if %cond3A_55 {
      %swap3A_60 = arith.constant 0 : index
      %swap3A_61 = arith.constant 0 : index
      %swap3A_62 = vector.load %arg10[%swap3A_60, %swap3A_61] : memref<1x256xf32, #tpu.memory_space<vmem>>, vector<1x256xf32>
      tpu.vector_store %arg10[%swap3A_60, %swap3A_61], %broadcast_in_dim3A {strides = array<i32>} : memref<1x256xf32, #tpu.memory_space<vmem>>, vector<1x256xf32>,
      %swap3A_63 = arith.constant 0 : index
      %swap3A_64 = arith.constant 0 : index
      %swap3A_65 = vector.load %arg11[%swap3A_63, %swap3A_64] : memref<1x256xf32, #tpu.memory_space<vmem>>, vector<1x256xf32>
      tpu.vector_store %arg11[%swap3A_63, %swap3A_64], %broadcast_in_dim3A_53 {strides = array<i32>} : memref<1x256xf32, #tpu.memory_space<vmem>>, vector<1x256xf32>,
    } else {
    }
    %ne3A = arith.constant 0 : i32
    %ne3A_56 = arith.cmpi ne, %arg0, %ne3A : i32
    %convert_element_type3A_57 = arith.extui %ne3A_56 : i1 to i32
    %cond3A_58 = arith.constant 0 : i32
    %cond3A_59 = arith.cmpi ne, %convert_element_type3A_57, %cond3A_58 : i32
    scf.if %cond3A_59 {
      %get3A_60 = arith.constant 0 : index
      %get3A_61 = arith.constant 0 : index
      %get3A_62 = vector.load %arg10[%get3A_60, %get3A_61] : memref<1x256xf32, #tpu.memory_space<vmem>>, vector<1x256xf32>
      %add3A_63 = arith.addf %get3A_62, %broadcast_in_dim3A : vector<1x256xf32>
      %swap3A_64 = arith.constant 0 : index
      %swap3A_65 = arith.constant 0 : index
      %swap3A_66 = vector.load %arg10[%swap3A_64, %swap3A_65] : memref<1x256xf32, #tpu.memory_space<vmem>>, vector<1x256xf32>
      tpu.vector_store %arg10[%swap3A_64, %swap3A_65], %add3A_63 {strides = array<i32>} : memref<1x256xf32, #tpu.memory_space<vmem>>, vector<1x256xf32>,
      %get3A_67 = arith.constant 0 : index
      %get3A_68 = arith.constant 0 : index
      %get3A_69 = vector.load %arg11[%get3A_67, %get3A_68] : memref<1x256xf32, #tpu.memory_space<vmem>>, vector<1x256xf32>
      %add3A_70 = arith.addf %get3A_69, %broadcast_in_dim3A_53 : vector<1x256xf32>
      %swap3A_71 = arith.constant 0 : index
      %swap3A_72 = arith.constant 0 : index
      %swap3A_73 = vector.load %arg11[%swap3A_71, %swap3A_72] : memref<1x256xf32, #tpu.memory_space<vmem>>, vector<1x256xf32>
      tpu.vector_store %arg11[%swap3A_71, %swap3A_72], %add3A_70 {strides = array<i32>} : memref<1x256xf32, #tpu.memory_space<vmem>>, vector<1x256xf32>,
    } else {
    }
    return
  }
  func.func @transform_0(%arg0: i32) -> (i32, i32) {
    %c0_i32 = arith.constant 0 : i32
    %c0_i32_0 = arith.constant 0 : i32
    return %arg0, %c0_i32 : i32, i32
  }
  func.func @transform_1(%arg0: i32) -> (i32, i32) {
    %c0_i32 = arith.constant 0 : i32
    %c0_i32_0 = arith.constant 0 : i32
    return %arg0, %c0_i32 : i32, i32
  }
  func.func @transform_2(%arg0: i32) -> (i32, i32) {
    %c0_i32 = arith.constant 0 : i32
    %c0_i32_0 = arith.constant 0 : i32
    %c0_i32_1 = arith.constant 0 : i32
    return %c0_i32, %c0_i32_0 : i32, i32
  }
  func.func @transform_3(%arg0: i32) -> (i32, i32) {
    %c0_i32 = arith.constant 0 : i32
    %c0_i32_0 = arith.constant 0 : i32
    %c0_i32_1 = arith.constant 0 : i32
    return %c0_i32, %c0_i32_0 : i32, i32
  }
  func.func @transform_4(%arg0: i32) -> (i32, i32) {
    %c0_i32 = arith.constant 0 : i32
    %c0_i32_0 = arith.constant 0 : i32
    %c0_i32_1 = arith.constant 0 : i32
    return %c0_i32, %c0_i32_0 : i32, i32
  }
  func.func @transform_5(%arg0: i32) -> (i32, i32) {
    %c0_i32 = arith.constant 0 : i32
    %c0_i32_0 = arith.constant 0 : i32
    %c0_i32_1 = arith.constant 0 : i32
    return %c0_i32, %c0_i32_0 : i32, i32
  }
  func.func @transform_6(%arg0: i32) -> (i32, i32) {
    %c0_i32 = arith.constant 0 : i32
    %c0_i32_0 = arith.constant 0 : i32
    %c0_i32_1 = arith.constant 0 : i32
    return %c0_i32, %c0_i32_0 : i32, i32
  }
  func.func @transform_7(%arg0: i32) -> (i32, i32) {
    %c0_i32 = arith.constant 0 : i32
    %c0_i32_0 = arith.constant 0 : i32
    %c0_i32_1 = arith.constant 0 : i32
    return %c0_i32, %c0_i32_0 : i32, i32
  }
  func.func @transform_8(%arg0: i32) -> (i32, i32) {
    %c0_i32 = arith.constant 0 : i32
    %c0_i32_0 = arith.constant 0 : i32
    return %arg0, %c0_i32 : i32, i32
  }
  func.func @transform_9(%arg0: i32) -> (i32, i32) {
    %c0_i32 = arith.constant 0 : i32
    %c0_i32_0 = arith.constant 0 : i32
    %c0_i32_1 = arith.constant 0 : i32
    return %c0_i32, %c0_i32_0 : i32, i32
  }
  func.func @transform_10(%arg0: i32) -> (i32, i32) {
    %c0_i32 = arith.constant 0 : i32
    %c0_i32_0 = arith.constant 0 : i32
    %c0_i32_1 = arith.constant 0 : i32
    return %c0_i32, %c0_i32_0 : i32, i32
  }
}

module attributes {stable_mosaic.version = 14 : i64} {
  func.func @_a1_body(%arg0: i32, %arg1: memref<400x128xf32, #tpu.memory_space<vmem>>, %arg2: memref<400x128xf32, #tpu.memory_space<vmem>>, %arg3: memref<400x16xf32, #tpu.memory_space<vmem>>, %arg4: memref<1x16xf32, #tpu.memory_space<vmem>>, %arg5: memref<16x128xf32, #tpu.memory_space<vmem>>, %arg6: memref<1x128xf32, #tpu.memory_space<vmem>>, %arg7: memref<256x256xf32, #tpu.memory_space<vmem>>, %arg8: memref<1x256xf32, #tpu.memory_space<vmem>>, %arg9: memref<400x256xf32, #tpu.memory_space<vmem>>, %arg10: memref<1x256xf32, #tpu.memory_space<vmem>>, %arg11: memref<1x256xf32, #tpu.memory_space<vmem>>) attributes {dimension_semantics = [#tpu.dimension_semantics<arbitrary>], iteration_bounds = array<i64: 25>, scalar_prefetch = 0 : i64, scratch_operands = 0 : i64, tpu.core_type = #tpu.core_type<tc>, window_params = [{transform_indices = @transform_0, window_bounds = array<i64: 400, 128>}, {transform_indices = @transform_1, window_bounds = array<i64: 400, 128>}, {transform_indices = @transform_2, window_bounds = array<i64: 400, 16>}, {pipeline_mode = #tpu.pipeline_mode<synchronous>, transform_indices = @transform_3, window_bounds = array<i64: 1, 16>}, {pipeline_mode = #tpu.pipeline_mode<synchronous>, transform_indices = @transform_4, window_bounds = array<i64: 16, 128>}, {pipeline_mode = #tpu.pipeline_mode<synchronous>, transform_indices = @transform_5, window_bounds = array<i64: 1, 128>}, {pipeline_mode = #tpu.pipeline_mode<synchronous>, transform_indices = @transform_6, window_bounds = array<i64: 256, 256>}, {pipeline_mode = #tpu.pipeline_mode<synchronous>, transform_indices = @transform_7, window_bounds = array<i64: 1, 256>}, {transform_indices = @transform_8, window_bounds = array<i64: 400, 256>}, {pipeline_mode = #tpu.pipeline_mode<synchronous>, transform_indices = @transform_9, window_bounds = array<i64: 1, 256>}, {pipeline_mode = #tpu.pipeline_mode<synchronous>, transform_indices = @transform_10, window_bounds = array<i64: 1, 256>}]} {
    %get3A = arith.constant 0 : index
    %get3A_0 = arith.constant 0 : index
    %get3A_1 = vector.load %arg3[%get3A, %get3A_0] : memref<400x16xf32, #tpu.memory_space<vmem>>, vector<400x16xf32>
    %slice3A = vector.extract_strided_slice %get3A_1 {offsets = [0, 9], sizes = [400, 1], strides = [1, 1]} : vector<400x16xf32> to vector<400x1xf32>
    %add3A = arith.constant 1.000000e+00 : f32
    %add3A_2 = vector.broadcast %add3A : f32 to vector<400x1xf32>
    %add3A_3 = arith.addf %slice3A, %add3A_2 : vector<400x1xf32>
    %get3A_4 = arith.constant 0 : index
    %get3A_5 = arith.constant 0 : index
    %get3A_6 = vector.load %arg1[%get3A_4, %get3A_5] : memref<400x128xf32, #tpu.memory_space<vmem>>, vector<400x128xf32>
    %get3A_7 = arith.constant 0 : index
    %get3A_8 = arith.constant 0 : index
    %get3A_9 = vector.load %arg2[%get3A_7, %get3A_8] : memref<400x128xf32, #tpu.memory_space<vmem>>, vector<400x128xf32>
    %add3A_10 = arith.addf %get3A_6, %get3A_9 : vector<400x128xf32>
    %get3A_11 = arith.constant 0 : index
    %get3A_12 = arith.constant 0 : index
    %get3A_13 = vector.load %arg4[%get3A_11, %get3A_12] : memref<1x16xf32, #tpu.memory_space<vmem>>, vector<1x16xf32>
    %add3A_14 = vector.broadcast %get3A_13 : vector<1x16xf32> to vector<400x16xf32>
    %add3A_15 = arith.addf %get3A_1, %add3A_14 : vector<400x16xf32>
    %get3A_16 = arith.constant 0 : index
    %get3A_17 = arith.constant 0 : index
    %get3A_18 = vector.load %arg5[%get3A_16, %get3A_17] : memref<16x128xf32, #tpu.memory_space<vmem>>, vector<16x128xf32>
    %dot_general3A = arith.constant dense<0.000000e+00> : vector<400x128xf32>
    %dot_general3A_19 = tpu.matmul %add3A_15, %get3A_18, %dot_general3A {dimension_numbers = #tpu.dot_dimension_numbers<[1], [0], [0], [1], [0, 0, 1, 1], [], []>, transpose_lhs_hint = false} : vector<400x16xf32>, vector<16x128xf32>, vector<400x128xf32> -> vector<400x128xf32>
    %get3A_20 = arith.constant 0 : index
    %get3A_21 = arith.constant 0 : index
    %get3A_22 = vector.load %arg6[%get3A_20, %get3A_21] : memref<1x128xf32, #tpu.memory_space<vmem>>, vector<1x128xf32>
    %mul3A = vector.broadcast %add3A_3 : vector<400x1xf32> to vector<400x128xf32>
    %mul3A_23 = vector.broadcast %get3A_22 : vector<1x128xf32> to vector<400x128xf32>
    %mul3A_24 = arith.mulf %mul3A, %mul3A_23 : vector<400x128xf32>
    %add3A_25 = arith.addf %dot_general3A_19, %mul3A_24 : vector<400x128xf32>
    %concatenate3A = tpu.concatenate %add3A_10, %add3A_25 in 1 : vector<400x128xf32>, vector<400x128xf32> -> vector<400x256xf32>
    %get3A_26 = arith.constant 0 : index
    %get3A_27 = arith.constant 0 : index
    %get3A_28 = vector.load %arg7[%get3A_26, %get3A_27] : memref<256x256xf32, #tpu.memory_space<vmem>>, vector<256x256xf32>
    %dot_general3A_29 = arith.constant dense<0.000000e+00> : vector<400x256xf32>
    %dot_general3A_30 = tpu.matmul %concatenate3A, %get3A_28, %dot_general3A_29 {dimension_numbers = #tpu.dot_dimension_numbers<[1], [0], [0], [1], [0, 0, 1, 1], [], []>, transpose_lhs_hint = false} : vector<400x256xf32>, vector<256x256xf32>, vector<400x256xf32> -> vector<400x256xf32>
    %get3A_31 = arith.constant 0 : index
    %get3A_32 = arith.constant 0 : index
    %get3A_33 = vector.load %arg8[%get3A_31, %get3A_32] : memref<1x256xf32, #tpu.memory_space<vmem>>, vector<1x256xf32>
    %add3A_34 = vector.broadcast %get3A_33 : vector<1x256xf32> to vector<400x256xf32>
    %add3A_35 = arith.addf %dot_general3A_30, %add3A_34 : vector<400x256xf32>
    %swap3A = arith.constant 0 : index
    %swap3A_36 = arith.constant 0 : index
    %swap3A_37 = vector.load %arg9[%swap3A, %swap3A_36] : memref<400x256xf32, #tpu.memory_space<vmem>>, vector<400x256xf32>
    tpu.vector_store %arg9[%swap3A, %swap3A_36], %add3A_35 {strides = array<i32>} : memref<400x256xf32, #tpu.memory_space<vmem>>, vector<400x256xf32>,
    %reduce_sum3A = arith.constant dense<0.000000e+00> : vector<256xf32>
    %reduce_sum3A_38 = vector.multi_reduction <add>, %add3A_35, %reduce_sum3A [0] : vector<400x256xf32> to vector<256xf32>
    %broadcast_in_dim3A = vector.shape_cast %reduce_sum3A_38 : vector<256xf32> to vector<1x256xf32>
    %mul3A_39 = arith.mulf %add3A_35, %add3A_35 : vector<400x256xf32>
    %reduce_sum3A_40 = arith.constant dense<0.000000e+00> : vector<256xf32>
    %reduce_sum3A_41 = vector.multi_reduction <add>, %mul3A_39, %reduce_sum3A_40 [0] : vector<400x256xf32> to vector<256xf32>
    %broadcast_in_dim3A_42 = vector.shape_cast %reduce_sum3A_41 : vector<256xf32> to vector<1x256xf32>
    %eq3A = arith.constant 0 : i32
    %eq3A_43 = arith.cmpi eq, %arg0, %eq3A : i32
    %convert_element_type3A = arith.extui %eq3A_43 : i1 to i32
    %cond3A = arith.constant 0 : i32
    %cond3A_44 = arith.cmpi ne, %convert_element_type3A, %cond3A : i32
    scf.if %cond3A_44 {
      %swap3A_49 = arith.constant 0 : index
      %swap3A_50 = arith.constant 0 : index
      %swap3A_51 = vector.load %arg10[%swap3A_49, %swap3A_50] : memref<1x256xf32, #tpu.memory_space<vmem>>, vector<1x256xf32>
      tpu.vector_store %arg10[%swap3A_49, %swap3A_50], %broadcast_in_dim3A {strides = array<i32>} : memref<1x256xf32, #tpu.memory_space<vmem>>, vector<1x256xf32>,
      %swap3A_52 = arith.constant 0 : index
      %swap3A_53 = arith.constant 0 : index
      %swap3A_54 = vector.load %arg11[%swap3A_52, %swap3A_53] : memref<1x256xf32, #tpu.memory_space<vmem>>, vector<1x256xf32>
      tpu.vector_store %arg11[%swap3A_52, %swap3A_53], %broadcast_in_dim3A_42 {strides = array<i32>} : memref<1x256xf32, #tpu.memory_space<vmem>>, vector<1x256xf32>,
    } else {
    }
    %ne3A = arith.constant 0 : i32
    %ne3A_45 = arith.cmpi ne, %arg0, %ne3A : i32
    %convert_element_type3A_46 = arith.extui %ne3A_45 : i1 to i32
    %cond3A_47 = arith.constant 0 : i32
    %cond3A_48 = arith.cmpi ne, %convert_element_type3A_46, %cond3A_47 : i32
    scf.if %cond3A_48 {
      %get3A_49 = arith.constant 0 : index
      %get3A_50 = arith.constant 0 : index
      %get3A_51 = vector.load %arg10[%get3A_49, %get3A_50] : memref<1x256xf32, #tpu.memory_space<vmem>>, vector<1x256xf32>
      %add3A_52 = arith.addf %get3A_51, %broadcast_in_dim3A : vector<1x256xf32>
      %swap3A_53 = arith.constant 0 : index
      %swap3A_54 = arith.constant 0 : index
      %swap3A_55 = vector.load %arg10[%swap3A_53, %swap3A_54] : memref<1x256xf32, #tpu.memory_space<vmem>>, vector<1x256xf32>
      tpu.vector_store %arg10[%swap3A_53, %swap3A_54], %add3A_52 {strides = array<i32>} : memref<1x256xf32, #tpu.memory_space<vmem>>, vector<1x256xf32>,
      %get3A_56 = arith.constant 0 : index
      %get3A_57 = arith.constant 0 : index
      %get3A_58 = vector.load %arg11[%get3A_56, %get3A_57] : memref<1x256xf32, #tpu.memory_space<vmem>>, vector<1x256xf32>
      %add3A_59 = arith.addf %get3A_58, %broadcast_in_dim3A_42 : vector<1x256xf32>
      %swap3A_60 = arith.constant 0 : index
      %swap3A_61 = arith.constant 0 : index
      %swap3A_62 = vector.load %arg11[%swap3A_60, %swap3A_61] : memref<1x256xf32, #tpu.memory_space<vmem>>, vector<1x256xf32>
      tpu.vector_store %arg11[%swap3A_60, %swap3A_61], %add3A_59 {strides = array<i32>} : memref<1x256xf32, #tpu.memory_space<vmem>>, vector<1x256xf32>,
    } else {
    }
    return
  }
  func.func @transform_0(%arg0: i32) -> (i32, i32) {
    %c0_i32 = arith.constant 0 : i32
    %c0_i32_0 = arith.constant 0 : i32
    return %arg0, %c0_i32 : i32, i32
  }
  func.func @transform_1(%arg0: i32) -> (i32, i32) {
    %c0_i32 = arith.constant 0 : i32
    %c0_i32_0 = arith.constant 0 : i32
    return %arg0, %c0_i32 : i32, i32
  }
  func.func @transform_2(%arg0: i32) -> (i32, i32) {
    %c0_i32 = arith.constant 0 : i32
    %c0_i32_0 = arith.constant 0 : i32
    return %arg0, %c0_i32 : i32, i32
  }
  func.func @transform_3(%arg0: i32) -> (i32, i32) {
    %c0_i32 = arith.constant 0 : i32
    %c0_i32_0 = arith.constant 0 : i32
    %c0_i32_1 = arith.constant 0 : i32
    return %c0_i32, %c0_i32_0 : i32, i32
  }
  func.func @transform_4(%arg0: i32) -> (i32, i32) {
    %c0_i32 = arith.constant 0 : i32
    %c0_i32_0 = arith.constant 0 : i32
    %c0_i32_1 = arith.constant 0 : i32
    return %c0_i32, %c0_i32_0 : i32, i32
  }
  func.func @transform_5(%arg0: i32) -> (i32, i32) {
    %c0_i32 = arith.constant 0 : i32
    %c0_i32_0 = arith.constant 0 : i32
    %c0_i32_1 = arith.constant 0 : i32
    return %c0_i32, %c0_i32_0 : i32, i32
  }
  func.func @transform_6(%arg0: i32) -> (i32, i32) {
    %c0_i32 = arith.constant 0 : i32
    %c0_i32_0 = arith.constant 0 : i32
    %c0_i32_1 = arith.constant 0 : i32
    return %c0_i32, %c0_i32_0 : i32, i32
  }
  func.func @transform_7(%arg0: i32) -> (i32, i32) {
    %c0_i32 = arith.constant 0 : i32
    %c0_i32_0 = arith.constant 0 : i32
    %c0_i32_1 = arith.constant 0 : i32
    return %c0_i32, %c0_i32_0 : i32, i32
  }
  func.func @transform_8(%arg0: i32) -> (i32, i32) {
    %c0_i32 = arith.constant 0 : i32
    %c0_i32_0 = arith.constant 0 : i32
    return %arg0, %c0_i32 : i32, i32
  }
  func.func @transform_9(%arg0: i32) -> (i32, i32) {
    %c0_i32 = arith.constant 0 : i32
    %c0_i32_0 = arith.constant 0 : i32
    %c0_i32_1 = arith.constant 0 : i32
    return %c0_i32, %c0_i32_0 : i32, i32
  }
  func.func @transform_10(%arg0: i32) -> (i32, i32) {
    %c0_i32 = arith.constant 0 : i32
    %c0_i32_0 = arith.constant 0 : i32
    %c0_i32_1 = arith.constant 0 : i32
    return %c0_i32, %c0_i32_0 : i32, i32
  }
}

module attributes {stable_mosaic.version = 14 : i64} {
  func.func @_b_body(%arg0: i32, %arg1: memref<400x256xf32, #tpu.memory_space<vmem>>, %arg2: memref<1x256xf32, #tpu.memory_space<vmem>>, %arg3: memref<1x256xf32, #tpu.memory_space<vmem>>, %arg4: memref<1x256xf32, #tpu.memory_space<vmem>>, %arg5: memref<1x256xf32, #tpu.memory_space<vmem>>, %arg6: memref<256x128xf32, #tpu.memory_space<vmem>>, %arg7: memref<1x128xf32, #tpu.memory_space<vmem>>, %arg8: memref<400x128xf32, #tpu.memory_space<vmem>>) attributes {dimension_semantics = [#tpu.dimension_semantics<arbitrary>], iteration_bounds = array<i64: 25>, scalar_prefetch = 0 : i64, scratch_operands = 0 : i64, tpu.core_type = #tpu.core_type<tc>, window_params = [{transform_indices = @transform_0, window_bounds = array<i64: 400, 256>}, {pipeline_mode = #tpu.pipeline_mode<synchronous>, transform_indices = @transform_1, window_bounds = array<i64: 1, 256>}, {pipeline_mode = #tpu.pipeline_mode<synchronous>, transform_indices = @transform_2, window_bounds = array<i64: 1, 256>}, {pipeline_mode = #tpu.pipeline_mode<synchronous>, transform_indices = @transform_3, window_bounds = array<i64: 1, 256>}, {pipeline_mode = #tpu.pipeline_mode<synchronous>, transform_indices = @transform_4, window_bounds = array<i64: 1, 256>}, {pipeline_mode = #tpu.pipeline_mode<synchronous>, transform_indices = @transform_5, window_bounds = array<i64: 256, 128>}, {pipeline_mode = #tpu.pipeline_mode<synchronous>, transform_indices = @transform_6, window_bounds = array<i64: 1, 128>}, {transform_indices = @transform_7, window_bounds = array<i64: 400, 128>}]} {
    %get3A = arith.constant 0 : index
    %get3A_0 = arith.constant 0 : index
    %get3A_1 = vector.load %arg2[%get3A, %get3A_0] : memref<1x256xf32, #tpu.memory_space<vmem>>, vector<1x256xf32>
    %mul3A = arith.constant 9.99999974E-5 : f32
    %mul3A_2 = vector.broadcast %mul3A : f32 to vector<1x256xf32>
    %mul3A_3 = arith.mulf %get3A_1, %mul3A_2 : vector<1x256xf32>
    %get3A_4 = arith.constant 0 : index
    %get3A_5 = arith.constant 0 : index
    %get3A_6 = vector.load %arg3[%get3A_4, %get3A_5] : memref<1x256xf32, #tpu.memory_space<vmem>>, vector<1x256xf32>
    %mul3A_7 = arith.constant 9.99999974E-5 : f32
    %mul3A_8 = vector.broadcast %mul3A_7 : f32 to vector<1x256xf32>
    %mul3A_9 = arith.mulf %get3A_6, %mul3A_8 : vector<1x256xf32>
    %mul3A_10 = arith.mulf %mul3A_3, %mul3A_3 : vector<1x256xf32>
    %sub3A = arith.subf %mul3A_9, %mul3A_10 : vector<1x256xf32>
    %add3A = arith.constant 9.99999974E-6 : f32
    %add3A_11 = vector.broadcast %add3A : f32 to vector<1x256xf32>
    %add3A_12 = arith.addf %sub3A, %add3A_11 : vector<1x256xf32>
    %rsqrt3A = math.rsqrt %add3A_12 : vector<1x256xf32>
    %get3A_13 = arith.constant 0 : index
    %get3A_14 = arith.constant 0 : index
    %get3A_15 = vector.load %arg1[%get3A_13, %get3A_14] : memref<400x256xf32, #tpu.memory_space<vmem>>, vector<400x256xf32>
    %sub3A_16 = vector.broadcast %mul3A_3 : vector<1x256xf32> to vector<400x256xf32>
    %sub3A_17 = arith.subf %get3A_15, %sub3A_16 : vector<400x256xf32>
    %get3A_18 = arith.constant 0 : index
    %get3A_19 = arith.constant 0 : index
    %get3A_20 = vector.load %arg4[%get3A_18, %get3A_19] : memref<1x256xf32, #tpu.memory_space<vmem>>, vector<1x256xf32>
    %mul3A_21 = arith.mulf %rsqrt3A, %get3A_20 : vector<1x256xf32>
    %mul3A_22 = vector.broadcast %mul3A_21 : vector<1x256xf32> to vector<400x256xf32>
    %mul3A_23 = arith.mulf %sub3A_17, %mul3A_22 : vector<400x256xf32>
    %get3A_24 = arith.constant 0 : index
    %get3A_25 = arith.constant 0 : index
    %get3A_26 = vector.load %arg5[%get3A_24, %get3A_25] : memref<1x256xf32, #tpu.memory_space<vmem>>, vector<1x256xf32>
    %add3A_27 = vector.broadcast %get3A_26 : vector<1x256xf32> to vector<400x256xf32>
    %add3A_28 = arith.addf %mul3A_23, %add3A_27 : vector<400x256xf32>
    %max3A = arith.constant 0.000000e+00 : f32
    %max3A_29 = vector.broadcast %max3A : f32 to vector<400x256xf32>
    %max3A_30 = arith.maximumf %add3A_28, %max3A_29 : vector<400x256xf32>
    %get3A_31 = arith.constant 0 : index
    %get3A_32 = arith.constant 0 : index
    %get3A_33 = vector.load %arg6[%get3A_31, %get3A_32] : memref<256x128xf32, #tpu.memory_space<vmem>>, vector<256x128xf32>
    %dot_general3A = arith.constant dense<0.000000e+00> : vector<400x128xf32>
    %dot_general3A_34 = tpu.matmul %max3A_30, %get3A_33, %dot_general3A {dimension_numbers = #tpu.dot_dimension_numbers<[1], [0], [0], [1], [0, 0, 1, 1], [], []>, transpose_lhs_hint = false} : vector<400x256xf32>, vector<256x128xf32>, vector<400x128xf32> -> vector<400x128xf32>
    %get3A_35 = arith.constant 0 : index
    %get3A_36 = arith.constant 0 : index
    %get3A_37 = vector.load %arg7[%get3A_35, %get3A_36] : memref<1x128xf32, #tpu.memory_space<vmem>>, vector<1x128xf32>
    %add3A_38 = vector.broadcast %get3A_37 : vector<1x128xf32> to vector<400x128xf32>
    %add3A_39 = arith.addf %dot_general3A_34, %add3A_38 : vector<400x128xf32>
    %swap3A = arith.constant 0 : index
    %swap3A_40 = arith.constant 0 : index
    %swap3A_41 = vector.load %arg8[%swap3A, %swap3A_40] : memref<400x128xf32, #tpu.memory_space<vmem>>, vector<400x128xf32>
    tpu.vector_store %arg8[%swap3A, %swap3A_40], %add3A_39 {strides = array<i32>} : memref<400x128xf32, #tpu.memory_space<vmem>>, vector<400x128xf32>,
    return
  }
  func.func @transform_0(%arg0: i32) -> (i32, i32) {
    %c0_i32 = arith.constant 0 : i32
    %c0_i32_0 = arith.constant 0 : i32
    return %arg0, %c0_i32 : i32, i32
  }
  func.func @transform_1(%arg0: i32) -> (i32, i32) {
    %c0_i32 = arith.constant 0 : i32
    %c0_i32_0 = arith.constant 0 : i32
    %c0_i32_1 = arith.constant 0 : i32
    return %c0_i32, %c0_i32_0 : i32, i32
  }
  func.func @transform_2(%arg0: i32) -> (i32, i32) {
    %c0_i32 = arith.constant 0 : i32
    %c0_i32_0 = arith.constant 0 : i32
    %c0_i32_1 = arith.constant 0 : i32
    return %c0_i32, %c0_i32_0 : i32, i32
  }
  func.func @transform_3(%arg0: i32) -> (i32, i32) {
    %c0_i32 = arith.constant 0 : i32
    %c0_i32_0 = arith.constant 0 : i32
    %c0_i32_1 = arith.constant 0 : i32
    return %c0_i32, %c0_i32_0 : i32, i32
  }
  func.func @transform_4(%arg0: i32) -> (i32, i32) {
    %c0_i32 = arith.constant 0 : i32
    %c0_i32_0 = arith.constant 0 : i32
    %c0_i32_1 = arith.constant 0 : i32
    return %c0_i32, %c0_i32_0 : i32, i32
  }
  func.func @transform_5(%arg0: i32) -> (i32, i32) {
    %c0_i32 = arith.constant 0 : i32
    %c0_i32_0 = arith.constant 0 : i32
    %c0_i32_1 = arith.constant 0 : i32
    return %c0_i32, %c0_i32_0 : i32, i32
  }
  func.func @transform_6(%arg0: i32) -> (i32, i32) {
    %c0_i32 = arith.constant 0 : i32
    %c0_i32_0 = arith.constant 0 : i32
    %c0_i32_1 = arith.constant 0 : i32
    return %c0_i32, %c0_i32_0 : i32, i32
  }
  func.func @transform_7(%arg0: i32) -> (i32, i32) {
    %c0_i32 = arith.constant 0 : i32
    %c0_i32_0 = arith.constant 0 : i32
    return %arg0, %c0_i32 : i32, i32
  }
}

</mosaic_0001>

<sc_bundles>
// kernel: kernel.11.cloned.1.call-start
scs
__scs_entry_jumppad:
0x0: {  	(pc) =	sbr.rel $0x88, $3  }
0x1: {  	(tag) =	ssettag $0x0;
	lr =	simm.s32 $0x1  }
0x2: {  	[smem:$0x3F8B] =	sst lr;
	_ =	strace $0xD0000000  }
0x3: {  	_ = 	snop  }
0x4: {  	_ = 	snop  }
0x5: {  	_ = 	snop  }
0x6: {  	_ = 	snop  }
0x7: {  	_ = 	snop  }
__scs_overlays_trampoline_lowered:
0x8: {  	[smem:$0x3F9A] =	sst s0  }
0x9: {  	[smem:$0x3F9B] =	sst s1  }
0xa: {  	[smem:$0x3F9C] =	sst s2  }
0xb: {  	[smem:$0x3F9D] =	sst s3  }
0xc: {  	[smem:$0x3F9E] =	sst s4  }
0xd: {  	[smem:$0x3F9F] =	sst s5  }
0xe: {  	[smem:$0x3FA0] =	sst s6  }
0xf: {  	[smem:$0x3FA1] =	sst s7  }
0x10: {  	[smem:$0x3FA2] =	sst s8  }
0x11: {  	[smem:$0x3FA3] =	sst s9;
	s0 =	simm.s32 @!p0 $0x0  }
0x12: {  	s1 =	sld [smem:$0x3F89];
	s0 =	simm.s32 @p0 $0x1  }
0x13: {  	[smem:$0x3FA4] =	sst s0;
	s0 =	simm.s32 @!p1 $0x0  }
0x14: {  	s2 =	sld [smem:$0x3F88];
	s0 =	simm.s32 @p1 $0x1  }
0x15: {  	[smem:$0x3FA5] =	sst s0;
	s0 =	simm.s32 @!p2 $0x0  }
0x16: {  	s3 =	sld [smem:$0x3FDB];
	s0 =	simm.s32 @p2 $0x1  }
0x17: {  	s4 =	simm.s32 $0x1BF5;
	[smem:$0x3FA7] =	sst s0  }
0x18: {  	s0 =	sld [smem:$0x3F8A];
	_ =	swait.ge [sflag:s4], $0x0  }
0x19: {  	s7 =	sld [smem:$0x3F8B]  }
0x1a: {  	s8 =	sadd.s32 $0xFFFFE003, lr  }
0x1b: {  	s9 =	sadd.s32 $0xFFFFFEF7, lr;
	s5 =	simm.s32 $0xFFFFFFFF;
	p2 =	slt.u32 s8, $0xFFFFF086  }
0x1c: {  	p1 =	slt.u32 s9, $0xF7A;
	s5 =	simm.s32 @!p2 $0x0  }
0x1d: {  	s5 =	simm.s32 @p1 $0x1;
	p0 =	seq.s32 s7, s2  }
0x1e: {  	s7 =	smul.u32 @!p0 $0xF7A, s2;
	p2 =	seq.s32 @!p0 s5, $0x0  }
0x1f: {  	s9 =	smul.u32 $0xF7A, s1;
	s8 =	simm.s32 @!p0 $0x1BF5;
	p2 =	por !p2, p0  }
0x20: {  	[sflag:s8] =	ssyncset.s32 @!p0 $0xFFFFF086;
	s6 =	sadd.s32 @!p0 s3, s7;
	s7 =	simm.s32 @!p0 $0x108  }
0x21: {  	s3 =	sadd.s32 s3, s9;
	s6 =	sadd.s32 @!p0 $0x88, s6;
	s7 =	simm.s32 @p2 $0x1082  }
0x22: {  	[simem:s7], [sflag:s8] =	dma.local @!p0 [hbm:s6], $0xF7A  }
0x23: {  	s9 =	sor.u32 $0xD0000000, s2;
	s6 =	simm.s32 $0x108;
	_ =	swait.ge @!p0 [sflag:s8], $0x0  }
0x24: {  	s3 =	sadd.s32 $0x88, s3;
	s6 =	simm.s32 @!p1 $0x1082;
	[sflag:s4] =	ssyncset.s32 $0xFFFFF086  }
0x25: {  	[simem:s6], [sflag:s4] =	dma.local [hbm:s3], $0xF7A  }
0x26: {  	[smem:$0x3F8B] =	sst s1;
	(tag) =	ssettag s2;
	_ =	strace s9  }
0x27: {  	s1 =	sld [smem:$0x3F9B]  }
0x28: {  	s2 =	sld [smem:$0x3F9C]  }
0x29: {  	s4 =	sld [smem:$0x3F9E]  }
0x2a: {  	p0 =	seq.s32 s5, $0x0;
	s5 =	sld [smem:$0x3F9F]  }
0x2b: {  	s6 =	sld [smem:$0x3FA0]  }
0x2c: {  	s7 =	sld [smem:$0x3FA1]  }
0x2d: {  	s3 =	simm.s32 $0x108;
	s8 =	sld [smem:$0x3FA2]  }
0x2e: {  	s3 =	simm.s32 @!p0 $0x1082;
	s9 =	sld [smem:$0x3FA3]  }
0x2f: {  	lr =	sadd.s32 s0, s3;
	s0 =	sld [smem:$0x3F9A]  }
0x30: {  	s3 =	sld [smem:$0x3F9D]  }
0x31: {  	[smem:$0x3FA6] =	sst s10  }
0x32: {  	s10 =	sld [smem:$0x3FA4];
	_ =	sdelay $0x3  }
0x33: {  	p0 =	seq.s32 s10, $0x1;
	s10 =	sld [smem:$0x3FA6];
	_ =	sdelay $0x3  }
0x34: {  	[smem:$0x3FA6] =	sst s10  }
0x35: {  	s10 =	sld [smem:$0x3FA5];
	_ =	sdelay $0x3  }
0x36: {  	p1 =	seq.s32 s10, $0x1;
	s10 =	sld [smem:$0x3FA6];
	_ =	sdelay $0x3  }
0x37: {  	[smem:$0x3FA6] =	sst s10  }
0x38: {  	s10 =	sld [smem:$0x3FA7]  }
0x39: {  	_ = 	snop;
	(pc) =	sbr.ind lr, $3  }
0x3a: {  	_ = 	snop  }
0x3b: {  	_ = 	snop  }
0x3c: {  	p2 =	seq.s32 s10, $0x1;
	s10 =	sld [smem:$0x3FA6]  }
0x3d: {  	_ =	shalt  }
0x3e: {  	_ =	shalt  }
0x3f: {  	_ =	shalt  }
0x40: {  	_ =	shalt  }
0x41: {  	_ =	shalt  }
0x42: {  	_ =	shalt  }
0x43: {  	_ =	shalt  }
0x44: {  	_ =	shalt  }
0x45: {  	_ =	shalt  }
0x46: {  	_ =	shalt  }
0x47: {  	_ =	shalt  }
0x48: {  	_ =	shalt  }
0x49: {  	_ =	shalt  }
0x4a: {  	_ =	shalt  }
0x4b: {  	_ =	shalt  }
0x4c: {  	_ =	shalt  }
0x4d: {  	_ =	shalt  }
0x4e: {  	_ =	shalt  }
0x4f: {  	_ =	shalt  }
0x50: {  	_ =	shalt  }
0x51: {  	_ =	shalt  }
0x52: {  	_ =	shalt  }
0x53: {  	_ =	shalt  }
0x54: {  	_ =	shalt  }
0x55: {  	_ =	shalt  }
0x56: {  	_ =	shalt  }
0x57: {  	_ =	shalt  }
0x58: {  	_ =	shalt  }
0x59: {  	_ =	shalt  }
0x5a: {  	_ =	shalt  }
0x5b: {  	_ =	shalt  }
0x5c: {  	_ =	shalt  }
0x5d: {  	_ =	shalt  }
0x5e: {  	_ =	shalt  }
0x5f: {  	_ =	shalt  }
0x60: {  	_ =	shalt  }
0x61: {  	_ =	shalt  }
0x62: {  	_ =	shalt  }
0x63: {  	_ =	shalt  }
0x64: {  	_ =	shalt  }
0x65: {  	_ =	shalt  }
0x66: {  	_ =	shalt  }
0x67: {  	_ =	shalt  }
0x68: {  	_ =	shalt  }
0x69: {  	_ =	shalt  }
0x6a: {  	_ =	shalt  }
0x6b: {  	_ =	shalt  }
0x6c: {  	_ =	shalt  }
0x6d: {  	_ =	shalt  }
0x6e: {  	_ =	shalt  }
0x6f: {  	_ =	shalt  }
0x70: {  	_ =	shalt  }
0x71: {  	_ =	shalt  }
0x72: {  	_ =	shalt  }
0x73: {  	_ =	shalt  }
0x74: {  	_ =	shalt  }
0x75: {  	_ =	shalt  }
0x76: {  	_ =	shalt  }
0x77: {  	_ =	shalt  }
0x78: {  	_ =	shalt  }
0x79: {  	_ =	shalt  }
0x7a: {  	_ =	shalt  }
0x7b: {  	_ =	shalt  }
0x7c: {  	_ =	shalt  }
0x7d: {  	_ =	shalt  }
0x7e: {  	_ =	shalt  }
0x7f: {  	_ =	shalt  }
0x80: {  	_ =	shalt  }
0x81: {  	_ =	shalt  }
0x82: {  	_ =	shalt  }
0x83: {  	_ =	shalt  }
0x84: {  	_ =	shalt  }
0x85: {  	_ =	shalt  }
0x86: {  	_ =	shalt  }
0x87: {  	_ =	shalt  }
.Lfunc_end0:
.L_simem_size_0:
called_computation.1_lowered:
.L_overlay_start_0:
0x88: {  	s2 =	sld [smem:$0x3FD9]  }
0x89: {  	s3 =	sld [smem:$0x3FFE];
	_ =	sdelay $0x1  }
0x8a: {  	s1 =	srdreg.scid  }
0x8b: {  	s0 =	sand.u32 $0x1, s1  }
0x8c: {  	s17 =	sshll.u32 s0, $0xA;
	s2 =	sadd.s32 s3, s2  }
0x8d: {  	s2 =	sadd.s32 s2, s17  }
0x8e: {  	[smem:$0x3FB2] =	sst s2  }
0x8f: {  	_ = 	snop  }
0x90: {  	s2 =	sld [smem:$0x3FD0];
	(tm) =	ssettm $0x1  }
0x91: {  	s18 =	sld [smem:$0x3FFB];
	_ =	sdelay $0x3  }
0x92: {  	_ =	strace s18  }
0x93: {  	s3 =	sld [smem:$0x3FFC];
	_ =	sdelay $0x3  }
0x94: {  	_ =	strace s3  }
0x95: {  	s3 =	sld [smem:$0x3FFD];
	_ =	sdelay $0x3  }
0x96: {  	_ =	strace s3  }
0x97: {  	_ =	strace $0x8FFFFFFF  }
0x98: {  	s19 =	sld [smem:$0x3FDB];
	_ =	sdelay $0x1  }
0x99: {  	s4 =	simm.s32 $_scs_section_size  }
0x9a: {  	s5 =	simm.s32 $_size__tile_overlayer_lowered;
	s6 =	simm.s32 $_tile_overlayer_lowered  }
0x9b: {  	s22 =	simm.s32 $0x1BFF;
	s21 =	sshll.u32 s6, $0x1;
	s3 =	sadd.s32 s4, s19  }
0x9c: {  	s7 =	simm.s32 $0x0;
	s20 =	sshll.u32 s5, $0x1;
	s5 =	sadd.s32 s21, s3  }
0x9d: {  	[timem:s7], [sflag:s22] =	dma.local [hbm:s5], s20  }
0x9e: {  	_ =	swait.ge [sflag:s22], s20  }
0x9f: {  	s4 =	ssub.s32 $0x0, s20;
	[sflag:s22] =	ssyncset.done $0x0  }
0xa0: {  	[sflag:s22] =	ssyncadd.s32 s4;
	_ =	sdelay $0x1  }
0xa1: {  	s23 =	simm.s32 $0x1B8B  }
0xa2: {  	_ =	swait.ge [sflag:s23], $0x1  }
0xa3: {  	[sflag:s23] =	ssyncset.done $0x0  }
0xa4: {  	s25 =	simm.s32 $0x1B8E;
	s24 =	sld [smem:$0x3FFE];
	[sflag:s23] =	ssyncadd.s32 $0xFFFFFFFF  }
0xa5: {  	s26 =	simm.s32 $execute0_lowered;
	[smem:$0x3FD2] =	sst s25  }
0xa6: {  	s5 =	sshll.u32 s26, $0x1;
	_ =	strace $0x80000049;
	[dreg:$0x1] =	wrdreg $0xFFFFFFFF  }
0xa7: {  	s28 =	simm.s32 $_size_execute0_lowered;
	s3 =	sadd.s32 s3, s5;
	[dreg:$0x0] =	wrdreg $0x0  }
0xa8: {  	s5 =	sshll.u32 s28, $0x1;
	[dreg:$0x2] =	wrdreg s3  }
0xa9: {  	[dreg:$0x3] =	wrdreg s5  }
0xaa: {  	[dreg:$0x4] =	wrdreg $0xC0  }
0xab: {  	_ =	task [dreg:s7], $0x5FFFF  }
0xac: {  	[dreg:$0x1] =	wrdreg $0xFFFFFFFF  }
0xad: {  	[dreg:$0x0] =	wrdreg $0x60  }
0xae: {  	[dreg:$0x2] =	wrdreg s24  }
0xaf: {  	[dreg:$0x3] =	wrdreg s2  }
0xb0: {  	[dreg:$0x4] =	wrdreg $0x9  }
0xb1: {  	_ =	task.clear_ibuf [dreg:s7], $0x5FFFF;
	_ =	strace $0x90000049  }
0xb2: {  	s29 =	simm.s32 $0x9;
	_ =	strace $0x8000004B  }
0xb3: {  	_ =	swait.ge [sflag:s29], $0x1  }
0xb4: {  	[sflag:s29] =	ssyncadd.s32 $0xFFFFFFFF  }
0xb5: {  	_ =	strace $0x9000004B  }
0xb6: {  	_ =	sfence  }
0xb7: {  	s30 =	sld [smem:$0x0];
	_ =	sdelay $0x2  }
0xb8: {  	s31 =	sshll.u32 s1, $0xD;
	s1 =	sshrl.u32 s1, $0x2  }
0xb9: {  	s3 =	sand.u32 $0x4000, s31;
	s1 =	sadd.s32 s1, s30  }
0xba: {  	s0 =	sor.u32 s3, s0;
	s1 =	sshll.u32 s1, $0x11  }
0xbb: {  	s0 =	sor.u32 s1, s0  }
0xbc: {  	s0 =	sadd.s32 $0x8F2B, s0  }
0xbd: {  	[sflag:s0] =	ssyncadd.remote.s32 $0x1  }
0xbe: {  	_ =	sfence.sel $0xFFFF  }
0xbf: {  	[dreg:$0x0] =	wrdreg $0xFFFFFFFF;
	(pc) =	sbr.abs _section_cstart, $3  }
0xc0: {  	[dreg:$0x1] =	wrdreg $0xFFFFFFFF  }
0xc1: {  	_ =	task.clear_ibuf [dreg:s7], $0x2FFFF;
	_ =	strace $0x9FFFFFFF  }
0xc2: {  	(tm) =	ssettm $0x7FFFFFFF  }
0xc3: {  	_ =	shalt  }
tec
execute0_lowered:
.L_overlay_start_1:
0x0: {  	(tag) =	ssettag $0x1  }
0x1: {  	s6 =	rddreg [dreg:$0x0]  }
0x2: {  	s2 =	rddreg [dreg:$0x1]  }
0x3: {  	s0 =	rddreg [dreg:$0x2]  }
0x4: {  	s4 =	srdreg.scid;
	s1 =	stileid.u32  }
0x5: {  	s3 =	simm.s32 $0x0;
	s11 =	simm.s32 $0x5F00;
	s13 =	simm.s32 $0xCF00  }
0x6: {  	s4 =	sand.u32 $0x1, s4;
	s5 =	sshll.u32 s1, $0x1;
	[smem:$0x7FF] =	sst s3  }
0x7: {  	s14 =	simm.s32 $0x0;
	s7 =	sor.u32 s4, s5;
	_ =	strace $0x8000004A  }
.Ltmp0:
0x8: {  	s9 =	ssub.s32 $0x2, s4;
	s4 =	sadd.s32 $0xD000, s6;
	(pc) =	sbr.rel .LBB2_1-.Ltmp0, $4  }
0x9: {  	s5 =	sadd.s32 $0x3200, s6;
	s8 =	smul.u32 $0x1400, s7;
	s10 =	sshrl.u32 s9, $0x1  }
0xa: {  	s12 =	smul.u32 $0xFFFFFEC0, s7;
	s31 =	ssub.s32 s9, s10;
	s9 =	simm.s32 $0x1F80  }
0xb: {  	s10 =	simm.s32 $0x50;
	s6 =	sadd.s32 s8, s6;
	s7 =	smax.u32 s31, $0x1  }
0xc: {  	v1 =	vimm.f32 $0.0e+00;
	v2 =	vimm.s32 $0x0;
	s8 =	simm.s32 $0x3;
	v0 =	vmov s12;
	s12 =	simm.s32 $0x7F00;
	s6 =	sadd.s32 $0x16E00, s6  }
.LBB2_14:
0xd: {  	s14 =	sadd.s32 $0x1, s14  }
0xe: {  	p0 =	sne.s32 s14, s7  }
.Ltmp1:
0xf: {  	_ = 	snop;
	(pc) =	sbr.rel @!p0 .LBB2_15-.Ltmp1, $4  }
0x10: {  	[hbm4b:s6+s3] =	stream.linear.scatter [tilespmem:s13], [sflag:$0x3], $0xA000, $0x38;
	[tilespmem:$0x16F00] =	vst v63  }
0x11: {  	_ =	swait.ge [sflag:s8], $0xA000  }
0x12: {  	[sflag:s8] =	ssyncset.done $0x0  }
0x13: {  	[sflag:s8] =	ssyncadd.s32 $0xFFFF6000  }
.LBB2_1:
0x14: {  	s16 =	simm.s32 $0x0;
	s15 =	simm.s32 $0x200  }
.LBB2_2:
0x15: {  	p0 =	sne.s32 s15, $0x27E00;
	[tilespmem:s16+$0xCF70] =	vst v1  }
0x16: {  	[tilespmem:s16+$0xCF00] =	vst v1  }
0x17: {  	[tilespmem:s16+$0xCF10] =	vst v1  }
.Ltmp2:
0x18: {  	[tilespmem:s16+$0xCF20] =	vst v1;
	(pc) =	sbr.rel @p0 .LBB2_2-.Ltmp2, $4  }
0x19: {  	[tilespmem:s16+$0xCF30] =	vst v1  }
0x1a: {  	[tilespmem:s16+$0xCF40] =	vst v1  }
0x1b: {  	[tilespmem:s16+$0xCF50] =	vst v1  }
0x1c: {  	[tilespmem:s16+$0xCF60] =	vst v1;
	s16 =	sshra.s32 s15, $0x2;
	s15 =	sadd.s32 $0x200, s15  }
0x1d: {  	[tilespmem:s16+$0xCF70] =	vst v1  }
0x1e: {  	[tilespmem:s16+$0xCF00] =	vst v1  }
0x1f: {  	[tilespmem:s16+$0xCF10] =	vst v1  }
.Ltmp3:
0x20: {  	[tilespmem:s16+$0xCF20] =	vst v1;
	(pc) =	sbr.rel .LBB2_4-.Ltmp3, $4  }
0x21: {  	[tilespmem:s16+$0xCF30] =	vst v1  }
0x22: {  	[tilespmem:s16+$0xCF40] =	vst v1  }
0x23: {  	[tilespmem:s16+$0xCF50] =	vst v1  }
0x24: {  	s15 =	simm.s32 $0x0;
	[tilespmem:s16+$0xCF60] =	vst v1;
	s16 =	simm.s32 $0x0  }
.LBB2_13:
0x25: {  	s16 =	sadd.s32 $0x1, s16  }
0x26: {  	p0 =	sne.s32 s16, $0x28  }
.Ltmp4:
0x27: {  	_ = 	snop;
	(pc) =	sbr.rel @!p0 .LBB2_14-.Ltmp4, $1  }
0x28: {  	_ =	sdelay $0x3  }
.LBB2_4:
0x29: {  	s17 =	smul.u32 $0x3E8, s16;
	_ =	sdelay $0x1  }
0x2a: {  	s18 =	sadd.s32 s4, s17  }
0x2b: {  	[tilespmem:s15], [sflag:$0x3] =	stream.linear.gather [hbm4b:s18+s15], $0x1F40, $0x38;
	[tilespmem:$0x16F00] =	vst v63  }
0x2c: {  	_ =	swait.ge [sflag:s8], $0x1F40  }
0x2d: {  	[sflag:s8] =	ssyncset.done $0x0  }
0x2e: {  	s17 =	sadd.s32 s5, s17;
	[sflag:s8] =	ssyncadd.s32 $0xFFFFE0C0  }
0x2f: {  	[tilespmem:s9], [sflag:$0x3] =	stream.linear.gather [hbm4b:s17+s15], $0x1F40, $0x38;
	[tilespmem:$0x16F00] =	vst v63  }
0x30: {  	_ =	swait.ge [sflag:s8], $0x1F40  }
0x31: {  	[sflag:s8] =	ssyncset.done $0x0  }
0x32: {  	s31 =	simm.s32 $0x0;
	[sflag:s8] =	ssyncadd.s32 $0xFFFFE0C0  }
0x33: {  	v3 =	vld [tilespmem:s31+$0x0];
	_ =	sdelay $0x4  }
0x34: {  	v3 =	vadd.s32 v0, v3  }
0x35: {  	vm0 =	vlt.u32 v3, $0x140  }
0x36: {  	v5 =	vmpcnt.ones.xlane vm0;
	_ =	sdelay $0x1  }
0x37: {  	(v2sf) =	vpush v5, $0x0  }
0x38: {  	v4 =	vld [tilespmem:s31+$0x1F80];
	_ =	sdelay $0x3  }
0x39: {  	[tilespmem:s15+$0x3F00] =	vst.msk vm0, v3  }
0x3a: {  	s19 =	simm.s32 $0x10;
	s18 =	simm.s32 $0x80;
	s17 =	simm.s32 $0x0;
	[tilespmem:s15+$0x5F00] =	vst.msk vm0, v4  }
.LBB2_5:
0x3b: {  	p0 =	sne.s32 s18, $0x7CC0;
	v3 =	vld [tilespmem:s19+$0x0];
	_ =	sdelay $0x4  }
0x3c: {  	v3 =	vadd.s32 v0, v3  }
0x3d: {  	v4 =	vld [tilespmem:s19+$0x1F80];
	vm0 =	vlt.u32 v3, $0x140  }
0x3e: {  	v5 =	vmpcnt.ones.xlane vm0  }
0x3f: {  	s19 =	spop (v2sf)  }
0x40: {  	(v2sf) =	vpush v5, $0x0;
	s17 =	sadd.s32 s17, s19  }
0x41: {  	[tilespmem:s17+$0x3F00] =	vst.msk vm0, v3  }
.Ltmp5:
0x42: {  	[tilespmem:s17+$0x5F00] =	vst.msk vm0, v4;
	(pc) =	sbr.rel @p0 .LBB2_5-.Ltmp5, $2  }
0x43: {  	_ =	sdelay $0x2  }
0x44: {  	s19 =	sshra.s32 s18, $0x2;
	s18 =	sadd.s32 $0x40, s18  }
0x45: {  	v3 =	vld [tilespmem:s19+$0x0];
	_ =	sdelay $0x4  }
0x46: {  	v3 =	vadd.s32 v0, v3  }
0x47: {  	vm0 =	vlt.u32 v3, $0x140  }
0x48: {  	v4 =	vmpcnt.ones.xlane vm0;
	_ =	sdelay $0x1  }
0x49: {  	(v2sf) =	vpush v4, $0x0;
	_ =	sdelay $0xd  }
0x4a: {  	s18 =	spop (v2sf)  }
0x4b: {  	s18 =	sadd.s32 s17, s18;
	s29 =	spop (v2sf)  }
0x4c: {  	s17 =	sadd.s32 s18, s29  }
0x4d: {  	s20 =	sadd.s32 $0x4F, s17  }
0x4e: {  	s21 =	smulhi.u32 $0x66666667, s20;
	s22 =	sshra.s32 s20, $0x1F  }
0x4f: {  	s22 =	smul.u32 $0x66666667, s22;
	_ =	sdelay $0x1  }
0x50: {  	s21 =	sadd.s32 s22, s21  }
0x51: {  	s30 =	sshrl.u32 s21, $0x1F;
	s21 =	sshra.s32 s21, $0x5  }
0x52: {  	v63 =	vld [tilespmem:s19+$0x1F80];
	s19 =	sadd.s32 s30, s21  }
0x53: {  	s21 =	smul.u32 $0xFFFFFFB0, s19  }
0x54: {  	s31 =	ssub.s32 $0xFFFFFFB1, s17  }
0x55: {  	p1 =	slt.s32 s20, $0x1;
	p0 =	sne.s32 s21, s31  }
0x56: {  	[tilespmem:s18+$0x3F00] =	vst.msk vm0, v3;
	p0 =	por !p1, !p0  }
0x57: {  	[tilespmem:s18+$0x5F00] =	vst.msk vm0, v63;
	s18 =	simm.s32 $0x1;
	p0 =	por !p0, !p0  }
0x58: {  	s18 =	simm.s32 @!p0 $0x0  }
0x59: {  	s18 =	ssub.s32 s19, s18  }
0x5a: {  	p0 =	slt.s32 s18, $0x1  }
.Ltmp6:
0x5b: {  	[tilespmem:s17+$0x5F00] =	vst v2;
	(pc) =	sbr.rel @p0 .LBB2_13-.Ltmp6, $4  }
0x5c: {  	[tilespmem:s17+$0x5F10] =	vst v2  }
0x5d: {  	[tilespmem:s17+$0x5F20] =	vst v2  }
0x5e: {  	[tilespmem:s17+$0x5F30] =	vst v2  }
0x5f: {  	[tilespmem:s17+$0x5F40] =	vst v2  }
.Ltmp7:
0x60: {  	(pc) =	sbr.rel .LBB2_9-.Ltmp7, $4  }
0x61: {  	_ = 	snop  }
0x62: {  	[tilespmem:s12], [sflag:$0x1] =	stream.indirect.gather [hbm4b:s2+s10], $0x80, s11, s10, $0xb8;
	[tilespmem:$0x16F00] =	vst v63  }
0x63: {  	s20 =	simm.s32 $0x0  }
0x64: {  	s19 =	simm.s32 $0x3F00;
	p0 =	por $0x0, $0x0;
	s21 =	smov.u32 s17  }
.LBB2_12:
0x65: {  	v4 =	vld [tilespmem:s22+$0xFFFFFFC0]  }
0x66: {  	v5 =	vld [tilespmem:s22+$0xFFFFFFF0]  }
0x67: {  	v6 =	vld [tilespmem:s22+$0xFFFFFFD0]  }
0x68: {  	v7 =	vld [tilespmem:s22+$0x30]  }
0x69: {  	v8 =	vld [tilespmem:s22+$0x0];
	s23 =	spop (v2sf)  }
0x6a: {  	v9 =	vld [tilespmem:s22+$0xFFFFFFE0];
	s23 =	sshll.u32 s23, $0x9  }
0x6b: {  	v10 =	vld [tilespmem:s22+$0x10];
	s31 =	sshra.s32 s23, $0x2  }
0x6c: {  	v11 =	vld [tilespmem:s31+$0xCF50]  }
0x6d: {  	v12 =	vld [tilespmem:s31+$0xCF70]  }
0x6e: {  	v13 =	vld [tilespmem:s31+$0xCF20]  }
0x6f: {  	v14 =	vld [tilespmem:s31+$0xCF40]  }
0x70: {  	v15 =	vld [tilespmem:s31+$0xCF10]  }
0x71: {  	v16 =	vld [tilespmem:s31+$0xCF30];
	v10 =	vadd.f32 v11, v10  }
0x72: {  	v62 =	vld [tilespmem:s31+$0xCF60];
	v7 =	vadd.f32 v12, v7  }
0x73: {  	v63 =	vld [tilespmem:s31+$0xCF00];
	v9 =	vadd.f32 v13, v9;
	[tilespmem:s31+$0xCF50] =	vst v10  }
0x74: {  	v8 =	vadd.f32 v14, v8;
	[tilespmem:s31+$0xCF70] =	vst v7  }
0x75: {  	v6 =	vadd.f32 v15, v6;
	[tilespmem:s31+$0xCF20] =	vst v9  }
0x76: {  	v5 =	vadd.f32 v16, v5;
	[tilespmem:s31+$0xCF40] =	vst v8  }
0x77: {  	v3 =	vadd.f32 v62, v3;
	[tilespmem:s31+$0xCF10] =	vst v6  }
0x78: {  	v4 =	vadd.f32 v63, v4;
	[tilespmem:s31+$0xCF30] =	vst v5  }
0x79: {  	[tilespmem:s31+$0xCF60] =	vst v3  }
0x7a: {  	[tilespmem:s31+$0xCF00] =	vst v4  }
.LBB2_8:
0x7b: {  	p1 =	seq.s32 s20, s18  }
.Ltmp8:
0x7c: {  	_ = 	snop;
	(pc) =	sbr.rel @p1 .LBB2_13-.Ltmp8, $2  }
0x7d: {  	_ =	sdelay $0x2  }
0x7e: {  	s21 =	sadd.s32 $0xFFFFFFB0, s21;
	s19 =	sadd.s32 $0x50, s19;
	p0 =	por !p0, !p0  }
.LBB2_9:
0x7f: {  	s22 =	smov.u32 s20;
	s20 =	sadd.s32 $0x1, s20  }
0x80: {  	s23 =	sand.u32 $0x1, s22;
	p1 =	sge.s32 s20, s18;
	s22 =	smul.u32 $0x50, s22  }
0x81: {  	s24 =	sxor.u32 @!p1 $0x1, s23;
	s23 =	sadd.s32 $0x1, s23;
	s26 =	smul.u32 @!p1 $0x140, s20  }
0x82: {  	s25 =	smul.u32 @!p1 $0xA000, s24;
	_ =	swait.ge [sflag:s23], $0x2800  }
0x83: {  	s24 =	sadd.s32 @!p1 $0x1, s24;
	s22 =	ssub.s32 s17, s22;
	[sflag:s23] =	ssyncset.done $0x0  }
0x84: {  	s26 =	sshra.s32 @!p1 s26, $0x2;
	s25 =	sshrl.u32 @!p1 s25, $0x2;
	[sflag:s23] =	ssyncadd.s32 $0xFFFFD800  }
0x85: {  	s23 =	sadd.s32 @!p1 $0x7F00, s25;
	s25 =	sadd.s32 @!p1 $0x5F00, s26;
	s26 =	simm.s32 @!p1 $0x50  }
0x86: {  	[tilespmem:s23], [sflag:s24] =	stream.indirect.gather @!p1 [hbm4b:s2+s26], $0x80, s25, s26, $0xb8;
	[tilespmem:$0x16F00] =	vst v63  }
0x87: {  	p1 =	slt.s32 s22, $0x1  }
.Ltmp9:
0x88: {  	_ = 	snop;
	(pc) =	sbr.rel @p1 .LBB2_8-.Ltmp9, $1  }
0x89: {  	_ =	sdelay $0x3  }
0x8a: {  	v3 =	vld [tilespmem:s19+$0x0];
	_ =	sdelay $0x4  }
0x8b: {  	(v2sf) =	vpush v3, $0x0;
	_ =	sdelay $0x1  }
0x8c: {  	p1 =	sgt.s32 s21, $0x1;
	s23 =	smov.u32 s21  }
0x8d: {  	s22 =	simm.s32 $0x1;
	s23 =	simm.s32 @!p1 $0x1  }
0x8e: {  	s22 =	simm.s32 @!p0 $0x0;
	s23 =	smin.u32 s23, $0x50  }
0x8f: {  	s22 =	smul.u32 $0xA000, s22;
	p1 =	seq.s32 s23, $0x1  }
.Ltmp10:
0x90: {  	_ = 	snop;
	(pc) =	sbr.rel @p1 .LBB2_12-.Ltmp10, $4  }
0x91: {  	_ = 	snop  }
0x92: {  	s22 =	sshrl.u32 s22, $0x2  }
0x93: {  	s22 =	sadd.s32 $0x7F40, s22  }
0x94: {  	s24 =	smov.u32 s19;
	s23 =	sadd.s32 $0xFFFFFFFF, s23;
	v3 =	vld [tilespmem:s22+$0x20];
	s25 =	smov.u32 s22  }
.LBB2_11:
0x95: {  	p1 =	seq.s32 s23, $0x1;
	v4 =	vld [tilespmem:s22+$0xFFFFFFC0];
	s24 =	sadd.s32 $0x1, s24;
	s25 =	sadd.s32 $0x80, s25  }
0x96: {  	s23 =	sadd.s32 $0xFFFFFFFF, s23;
	v5 =	vld [tilespmem:s22+$0xFFFFFFF0]  }
0x97: {  	v6 =	vld [tilespmem:s22+$0xFFFFFFD0]  }
0x98: {  	v7 =	vld [tilespmem:s22+$0x30]  }
0x99: {  	v8 =	vld [tilespmem:s22+$0x0];
	s26 =	spop (v2sf)  }
0x9a: {  	v9 =	vld [tilespmem:s22+$0xFFFFFFE0];
	s26 =	sshll.u32 s26, $0x9  }
0x9b: {  	v10 =	vld [tilespmem:s22+$0x10];
	s26 =	sshra.s32 s26, $0x2;
	s22 =	smov.u32 s25  }
0x9c: {  	v11 =	vld [tilespmem:s26+$0xCF50]  }
0x9d: {  	v12 =	vld [tilespmem:s26+$0xCF70]  }
0x9e: {  	v13 =	vld [tilespmem:s26+$0xCF20]  }
0x9f: {  	v14 =	vld [tilespmem:s26+$0xCF40]  }
0xa0: {  	v15 =	vld [tilespmem:s26+$0xCF10]  }
0xa1: {  	v16 =	vld [tilespmem:s26+$0xCF30];
	v10 =	vadd.f32 v11, v10  }
0xa2: {  	v11 =	vld [tilespmem:s26+$0xCF60];
	v7 =	vadd.f32 v12, v7  }
0xa3: {  	v12 =	vld [tilespmem:s26+$0xCF00];
	v9 =	vadd.f32 v13, v9;
	[tilespmem:s26+$0xCF50] =	vst v10  }
0xa4: {  	v8 =	vadd.f32 v14, v8;
	[tilespmem:s26+$0xCF70] =	vst v7  }
0xa5: {  	v6 =	vadd.f32 v15, v6;
	[tilespmem:s26+$0xCF20] =	vst v9  }
0xa6: {  	v5 =	vadd.f32 v16, v5;
	[tilespmem:s26+$0xCF40] =	vst v8  }
0xa7: {  	[tilespmem:s26+$0xCF10] =	vst v6;
	v3 =	vadd.f32 v11, v3  }
0xa8: {  	v4 =	vadd.f32 v12, v4;
	[tilespmem:s26+$0xCF30] =	vst v5  }
0xa9: {  	[tilespmem:s26+$0xCF60] =	vst v3  }
0xaa: {  	[tilespmem:s26+$0xCF00] =	vst v4  }
0xab: {  	v3 =	vld [tilespmem:s24+$0x0];
	_ =	sdelay $0x4  }
0xac: {  	(v2sf) =	vpush v3, $0x0;
	_ =	sdelay $0x5  }
.Ltmp11:
0xad: {  	(pc) =	sbr.rel @!p1 .LBB2_11-.Ltmp11, $2  }
0xae: {  	_ =	sdelay $0x2  }
0xaf: {  	v3 =	vld [tilespmem:s25+$0x20]  }
.Ltmp12:
0xb0: {  	_ = 	snop;
	(pc) =	sbr.rel .LBB2_12-.Ltmp12, $1  }
0xb1: {  	_ =	sdelay $0x3  }
.LBB2_15:
0xb2: {  	_ =	sfence.sel $0x180000  }
0xb3: {  	[bflag:$0x0] =	sbarrier.arrive $0xFFFF  }
0xb4: {  	p0 =	sne.s32 s1, $0x0;
	_ =	strace $0x9000004A  }
0xb5: {  	s0 =	sadd.s32 @!p0 $0x100000, s0;
	[bflag:$0x2] =	sbarrier.arrive $0xFFFF  }
0xb6: {  	[sflag:s0] =	ssyncadd.tile.s32 @!p0 $0x1;
	_ =	shalt  }
.Lfunc_end2:
_tile_overlayer_lowered:
.L_overlay_start_2:
0xb7: {  	(tag) =	ssettag $0x2  }
0xb8: {  	s0 =	rddreg [dreg:$0x0];
	s2 =	stileid.u32  }
0xb9: {  	s1 =	rddreg [dreg:$0x1];
	p0 =	sne.s32 s2, $0x0  }
0xba: {  	s3 =	rddreg [dreg:$0x2];
	[bflag:$0x3] =	sbarrier.arrive $0xFFFF;
	s2 =	simm.s32 @!p0 $0x1C03  }
0xbb: {  	[timem:s3], [sflag:s2] =	dma.local @!p0 [hbm:s0], s1  }
0xbc: {  	s0 =	simm.s32 @!p0 $0x3  }
0xbd: {  	_ =	swait.ge @!p0 [sflag:s0], s1  }
0xbe: {  	s1 =	ssub.s32 @!p0 $0x0, s1;
	[sflag:s0] =	ssyncset.done @!p0 $0x0  }
0xbf: {  	[sflag:s0] =	ssyncadd.s32 @!p0 s1  }
0xc0: {  	[bflag:$0x3] =	sbarrier.arrive $0xFFFF  }
0xc1: {  	_ =	shalt  }

// kernel: kernel.8.cloned.1.call-start
scs
__scs_entry_jumppad:
0x0: {  	(pc) =	sbr.rel $0x88, $3  }
0x1: {  	(tag) =	ssettag $0x0;
	lr =	simm.s32 $0x1  }
0x2: {  	[smem:$0x3F8B] =	sst lr;
	_ =	strace $0xD0000000  }
0x3: {  	_ = 	snop  }
0x4: {  	_ = 	snop  }
0x5: {  	_ = 	snop  }
0x6: {  	_ = 	snop  }
0x7: {  	_ = 	snop  }
__scs_overlays_trampoline_lowered:
0x8: {  	[smem:$0x3F9A] =	sst s0  }
0x9: {  	[smem:$0x3F9B] =	sst s1  }
0xa: {  	[smem:$0x3F9C] =	sst s2  }
0xb: {  	[smem:$0x3F9D] =	sst s3  }
0xc: {  	[smem:$0x3F9E] =	sst s4  }
0xd: {  	[smem:$0x3F9F] =	sst s5  }
0xe: {  	[smem:$0x3FA0] =	sst s6  }
0xf: {  	[smem:$0x3FA1] =	sst s7  }
0x10: {  	[smem:$0x3FA2] =	sst s8  }
0x11: {  	[smem:$0x3FA3] =	sst s9;
	s0 =	simm.s32 @!p0 $0x0  }
0x12: {  	s1 =	sld [smem:$0x3F89];
	s0 =	simm.s32 @p0 $0x1  }
0x13: {  	[smem:$0x3FA4] =	sst s0;
	s0 =	simm.s32 @!p1 $0x0  }
0x14: {  	s2 =	sld [smem:$0x3F88];
	s0 =	simm.s32 @p1 $0x1  }
0x15: {  	[smem:$0x3FA5] =	sst s0;
	s0 =	simm.s32 @!p2 $0x0  }
0x16: {  	s3 =	sld [smem:$0x3FDB];
	s0 =	simm.s32 @p2 $0x1  }
0x17: {  	s4 =	simm.s32 $0x1BF5;
	[smem:$0x3FA7] =	sst s0  }
0x18: {  	s0 =	sld [smem:$0x3F8A];
	_ =	swait.ge [sflag:s4], $0x0  }
0x19: {  	s7 =	sld [smem:$0x3F8B]  }
0x1a: {  	s8 =	sadd.s32 $0xFFFFE003, lr  }
0x1b: {  	s9 =	sadd.s32 $0xFFFFFEF7, lr;
	s5 =	simm.s32 $0xFFFFFFFF;
	p2 =	slt.u32 s8, $0xFFFFF086  }
0x1c: {  	p1 =	slt.u32 s9, $0xF7A;
	s5 =	simm.s32 @!p2 $0x0  }
0x1d: {  	s5 =	simm.s32 @p1 $0x1;
	p0 =	seq.s32 s7, s2  }
0x1e: {  	s7 =	smul.u32 @!p0 $0xF7A, s2;
	p2 =	seq.s32 @!p0 s5, $0x0  }
0x1f: {  	s9 =	smul.u32 $0xF7A, s1;
	s8 =	simm.s32 @!p0 $0x1BF5;
	p2 =	por !p2, p0  }
0x20: {  	[sflag:s8] =	ssyncset.s32 @!p0 $0xFFFFF086;
	s6 =	sadd.s32 @!p0 s3, s7;
	s7 =	simm.s32 @!p0 $0x108  }
0x21: {  	s3 =	sadd.s32 s3, s9;
	s6 =	sadd.s32 @!p0 $0x88, s6;
	s7 =	simm.s32 @p2 $0x1082  }
0x22: {  	[simem:s7], [sflag:s8] =	dma.local @!p0 [hbm:s6], $0xF7A  }
0x23: {  	s9 =	sor.u32 $0xD0000000, s2;
	s6 =	simm.s32 $0x108;
	_ =	swait.ge @!p0 [sflag:s8], $0x0  }
0x24: {  	s3 =	sadd.s32 $0x88, s3;
	s6 =	simm.s32 @!p1 $0x1082;
	[sflag:s4] =	ssyncset.s32 $0xFFFFF086  }
0x25: {  	[simem:s6], [sflag:s4] =	dma.local [hbm:s3], $0xF7A  }
0x26: {  	[smem:$0x3F8B] =	sst s1;
	(tag) =	ssettag s2;
	_ =	strace s9  }
0x27: {  	s1 =	sld [smem:$0x3F9B]  }
0x28: {  	s2 =	sld [smem:$0x3F9C]  }
0x29: {  	s4 =	sld [smem:$0x3F9E]  }
0x2a: {  	p0 =	seq.s32 s5, $0x0;
	s5 =	sld [smem:$0x3F9F]  }
0x2b: {  	s6 =	sld [smem:$0x3FA0]  }
0x2c: {  	s7 =	sld [smem:$0x3FA1]  }
0x2d: {  	s3 =	simm.s32 $0x108;
	s8 =	sld [smem:$0x3FA2]  }
0x2e: {  	s3 =	simm.s32 @!p0 $0x1082;
	s9 =	sld [smem:$0x3FA3]  }
0x2f: {  	lr =	sadd.s32 s0, s3;
	s0 =	sld [smem:$0x3F9A]  }
0x30: {  	s3 =	sld [smem:$0x3F9D]  }
0x31: {  	[smem:$0x3FA6] =	sst s10  }
0x32: {  	s10 =	sld [smem:$0x3FA4];
	_ =	sdelay $0x3  }
0x33: {  	p0 =	seq.s32 s10, $0x1;
	s10 =	sld [smem:$0x3FA6];
	_ =	sdelay $0x3  }
0x34: {  	[smem:$0x3FA6] =	sst s10  }
0x35: {  	s10 =	sld [smem:$0x3FA5];
	_ =	sdelay $0x3  }
0x36: {  	p1 =	seq.s32 s10, $0x1;
	s10 =	sld [smem:$0x3FA6];
	_ =	sdelay $0x3  }
0x37: {  	[smem:$0x3FA6] =	sst s10  }
0x38: {  	s10 =	sld [smem:$0x3FA7]  }
0x39: {  	_ = 	snop;
	(pc) =	sbr.ind lr, $3  }
0x3a: {  	_ = 	snop  }
0x3b: {  	_ = 	snop  }
0x3c: {  	p2 =	seq.s32 s10, $0x1;
	s10 =	sld [smem:$0x3FA6]  }
0x3d: {  	_ =	shalt  }
0x3e: {  	_ =	shalt  }
0x3f: {  	_ =	shalt  }
0x40: {  	_ =	shalt  }
0x41: {  	_ =	shalt  }
0x42: {  	_ =	shalt  }
0x43: {  	_ =	shalt  }
0x44: {  	_ =	shalt  }
0x45: {  	_ =	shalt  }
0x46: {  	_ =	shalt  }
0x47: {  	_ =	shalt  }
0x48: {  	_ =	shalt  }
0x49: {  	_ =	shalt  }
0x4a: {  	_ =	shalt  }
0x4b: {  	_ =	shalt  }
0x4c: {  	_ =	shalt  }
0x4d: {  	_ =	shalt  }
0x4e: {  	_ =	shalt  }
0x4f: {  	_ =	shalt  }
0x50: {  	_ =	shalt  }
0x51: {  	_ =	shalt  }
0x52: {  	_ =	shalt  }
0x53: {  	_ =	shalt  }
0x54: {  	_ =	shalt  }
0x55: {  	_ =	shalt  }
0x56: {  	_ =	shalt  }
0x57: {  	_ =	shalt  }
0x58: {  	_ =	shalt  }
0x59: {  	_ =	shalt  }
0x5a: {  	_ =	shalt  }
0x5b: {  	_ =	shalt  }
0x5c: {  	_ =	shalt  }
0x5d: {  	_ =	shalt  }
0x5e: {  	_ =	shalt  }
0x5f: {  	_ =	shalt  }
0x60: {  	_ =	shalt  }
0x61: {  	_ =	shalt  }
0x62: {  	_ =	shalt  }
0x63: {  	_ =	shalt  }
0x64: {  	_ =	shalt  }
0x65: {  	_ =	shalt  }
0x66: {  	_ =	shalt  }
0x67: {  	_ =	shalt  }
0x68: {  	_ =	shalt  }
0x69: {  	_ =	shalt  }
0x6a: {  	_ =	shalt  }
0x6b: {  	_ =	shalt  }
0x6c: {  	_ =	shalt  }
0x6d: {  	_ =	shalt  }
0x6e: {  	_ =	shalt  }
0x6f: {  	_ =	shalt  }
0x70: {  	_ =	shalt  }
0x71: {  	_ =	shalt  }
0x72: {  	_ =	shalt  }
0x73: {  	_ =	shalt  }
0x74: {  	_ =	shalt  }
0x75: {  	_ =	shalt  }
0x76: {  	_ =	shalt  }
0x77: {  	_ =	shalt  }
0x78: {  	_ =	shalt  }
0x79: {  	_ =	shalt  }
0x7a: {  	_ =	shalt  }
0x7b: {  	_ =	shalt  }
0x7c: {  	_ =	shalt  }
0x7d: {  	_ =	shalt  }
0x7e: {  	_ =	shalt  }
0x7f: {  	_ =	shalt  }
0x80: {  	_ =	shalt  }
0x81: {  	_ =	shalt  }
0x82: {  	_ =	shalt  }
0x83: {  	_ =	shalt  }
0x84: {  	_ =	shalt  }
0x85: {  	_ =	shalt  }
0x86: {  	_ =	shalt  }
0x87: {  	_ =	shalt  }
.Lfunc_end0:
.L_simem_size_0:
called_computation_lowered:
.L_overlay_start_0:
0x88: {  	s2 =	sld [smem:$0x3FD9]  }
0x89: {  	s3 =	sld [smem:$0x3FFE];
	_ =	sdelay $0x1  }
0x8a: {  	s1 =	srdreg.scid  }
0x8b: {  	s0 =	sand.u32 $0x1, s1  }
0x8c: {  	s17 =	sshll.u32 s0, $0xA;
	s2 =	sadd.s32 s3, s2  }
0x8d: {  	s2 =	sadd.s32 s2, s17  }
0x8e: {  	[smem:$0x3FB2] =	sst s2  }
0x8f: {  	_ = 	snop  }
0x90: {  	s2 =	sld [smem:$0x3FC9];
	(tm) =	ssettm $0x1  }
0x91: {  	s18 =	sld [smem:$0x3FFB];
	_ =	sdelay $0x3  }
0x92: {  	_ =	strace s18  }
0x93: {  	s3 =	sld [smem:$0x3FFC];
	_ =	sdelay $0x3  }
0x94: {  	_ =	strace s3  }
0x95: {  	s3 =	sld [smem:$0x3FFD];
	_ =	sdelay $0x3  }
0x96: {  	_ =	strace s3  }
0x97: {  	_ =	strace $0x8FFFFFFF  }
0x98: {  	s19 =	sld [smem:$0x3FDB];
	_ =	sdelay $0x1  }
0x99: {  	s4 =	simm.s32 $_scs_section_size  }
0x9a: {  	s5 =	simm.s32 $_size__tile_overlayer_lowered;
	s6 =	simm.s32 $_tile_overlayer_lowered  }
0x9b: {  	s22 =	simm.s32 $0x1BFF;
	s21 =	sshll.u32 s6, $0x1;
	s3 =	sadd.s32 s4, s19  }
0x9c: {  	s7 =	simm.s32 $0x0;
	s20 =	sshll.u32 s5, $0x1;
	s5 =	sadd.s32 s21, s3  }
0x9d: {  	[timem:s7], [sflag:s22] =	dma.local [hbm:s5], s20  }
0x9e: {  	_ =	swait.ge [sflag:s22], s20  }
0x9f: {  	s4 =	ssub.s32 $0x0, s20;
	[sflag:s22] =	ssyncset.done $0x0  }
0xa0: {  	[sflag:s22] =	ssyncadd.s32 s4;
	_ =	sdelay $0x1  }
0xa1: {  	s23 =	simm.s32 $0x1B8B  }
0xa2: {  	_ =	swait.ge [sflag:s23], $0x1  }
0xa3: {  	[sflag:s23] =	ssyncset.done $0x0  }
0xa4: {  	s25 =	simm.s32 $0x1B8E;
	s24 =	sld [smem:$0x3FFE];
	[sflag:s23] =	ssyncadd.s32 $0xFFFFFFFF  }
0xa5: {  	s26 =	simm.s32 $execute0_lowered;
	[smem:$0x3FD2] =	sst s25  }
0xa6: {  	s5 =	sshll.u32 s26, $0x1;
	_ =	strace $0x80000046;
	[dreg:$0x1] =	wrdreg $0xFFFFFFFF  }
0xa7: {  	s28 =	simm.s32 $_size_execute0_lowered;
	s3 =	sadd.s32 s3, s5;
	[dreg:$0x0] =	wrdreg $0x0  }
0xa8: {  	s5 =	sshll.u32 s28, $0x1;
	[dreg:$0x2] =	wrdreg s3  }
0xa9: {  	[dreg:$0x3] =	wrdreg s5  }
0xaa: {  	[dreg:$0x4] =	wrdreg $0xC0  }
0xab: {  	_ =	task [dreg:s7], $0x5FFFF  }
0xac: {  	[dreg:$0x1] =	wrdreg $0xFFFFFFFF  }
0xad: {  	[dreg:$0x0] =	wrdreg $0x60  }
0xae: {  	[dreg:$0x2] =	wrdreg s24  }
0xaf: {  	[dreg:$0x3] =	wrdreg s2  }
0xb0: {  	[dreg:$0x4] =	wrdreg $0x9  }
0xb1: {  	_ =	task.clear_ibuf [dreg:s7], $0x5FFFF;
	_ =	strace $0x90000046  }
0xb2: {  	s29 =	simm.s32 $0x9;
	_ =	strace $0x80000048  }
0xb3: {  	_ =	swait.ge [sflag:s29], $0x1  }
0xb4: {  	[sflag:s29] =	ssyncadd.s32 $0xFFFFFFFF  }
0xb5: {  	_ =	strace $0x90000048  }
0xb6: {  	_ =	sfence  }
0xb7: {  	s30 =	sld [smem:$0x0];
	_ =	sdelay $0x2  }
0xb8: {  	s31 =	sshll.u32 s1, $0xD;
	s1 =	sshrl.u32 s1, $0x2  }
0xb9: {  	s3 =	sand.u32 $0x4000, s31;
	s1 =	sadd.s32 s1, s30  }
0xba: {  	s0 =	sor.u32 s3, s0;
	s1 =	sshll.u32 s1, $0x11  }
0xbb: {  	s0 =	sor.u32 s1, s0  }
0xbc: {  	s0 =	sadd.s32 $0x8F2B, s0  }
0xbd: {  	[sflag:s0] =	ssyncadd.remote.s32 $0x1  }
0xbe: {  	_ =	sfence.sel $0xFFFF  }
0xbf: {  	[dreg:$0x0] =	wrdreg $0xFFFFFFFF;
	(pc) =	sbr.abs _section_cstart, $3  }
0xc0: {  	[dreg:$0x1] =	wrdreg $0xFFFFFFFF  }
0xc1: {  	_ =	task.clear_ibuf [dreg:s7], $0x2FFFF;
	_ =	strace $0x9FFFFFFF  }
0xc2: {  	(tm) =	ssettm $0x7FFFFFFF  }
0xc3: {  	_ =	shalt  }
tec
execute0_lowered:
.L_overlay_start_1:
0x0: {  	(tag) =	ssettag $0x1  }
0x1: {  	s0 =	rddreg [dreg:$0x0]  }
0x2: {  	s1 =	srdreg.scid;
	s2 =	stileid.u32  }
0x3: {  	s3 =	simm.s32 $0x0;
	s9 =	simm.s32 $0x3;
	s10 =	simm.s32 $0x2780  }
0x4: {  	s12 =	simm.s32 $0x50;
	s13 =	simm.s32 $0xC680;
	s14 =	simm.s32 $0xE680  }
0x5: {  	s15 =	simm.s32 $0x13680;
	s16 =	simm.s32 $0x0;
	s17 =	simm.s32 $0x0  }
0x6: {  	s1 =	sand.u32 $0x1, s1;
	s4 =	sshll.u32 s2, $0x1;
	[smem:$0x7FF] =	sst s3  }
.Ltmp0:
0x7: {  	s5 =	sadd.s32 $0x3200, s0;
	s7 =	sor.u32 s1, s4;
	(pc) =	sbr.rel .LBB2_1-.Ltmp0, $4  }
0x8: {  	s6 =	sadd.s32 $0x4F8E00, s0;
	s1 =	ssub.s32 $0x2, s1;
	s8 =	smul.u32 $0x1400, s7  }
0x9: {  	_ =	strace $0x80000047;
	s31 =	sshrl.u32 s1, $0x1;
	s11 =	smul.u32 $0xFFFFFEC0, s7  }
0xa: {  	v1 =	vimm.f32 $0.0e+00;
	vm0 =	vcmask $0x2B28;
	v2 =	vlaneseq.u32;
	s4 =	sadd.s32 $0xD000, s0;
	s1 =	ssub.s32 s1, s31;
	s0 =	sadd.s32 s8, s0  }
0xb: {  	v3 =	vimm.s32 $0x0;
	v4 =	vsel vm0, $0x3F800000, v1;
	s8 =	smax.u32 s1, $0x1;
	v0 =	vmov s11;
	s11 =	simm.s32 $0x4700;
	s7 =	sadd.s32 $0x16E00, s0  }
.LBB2_17:
0xc: {  	s16 =	sadd.s32 $0x1, s16  }
0xd: {  	p0 =	sne.s32 s16, s8  }
.Ltmp1:
0xe: {  	s0 =	simm.s32 $0x0;
	(pc) =	sbr.rel @!p0 .LBB2_18-.Ltmp1, $4  }
0xf: {  	[hbm4b:s7+s0] =	stream.linear.scatter [tilespmem:s15], [sflag:$0x3], $0xA000, $0x38;
	[tilespmem:$0x1D680] =	vst v63  }
0x10: {  	_ =	swait.ge [sflag:s9], $0xA000  }
0x11: {  	[sflag:s9] =	ssyncset.done $0x0  }
0x12: {  	[sflag:s9] =	ssyncadd.s32 $0xFFFF6000  }
.LBB2_1:
0x13: {  	s0 =	simm.s32 $0x200;
	s1 =	simm.s32 $0x0  }
.LBB2_2:
0x14: {  	p0 =	sne.s32 s0, $0x27E00;
	[tilespmem:s1+$0x13680] =	vst v1;
	s1 =	smov.u32 s0;
	s0 =	sadd.s32 $0x200, s0  }
.Ltmp2:
0x15: {  	(pc) =	sbr.rel @p0 .LBB2_2-.Ltmp2, $2  }
0x16: {  	_ =	sdelay $0x2  }
0x17: {  	s1 =	sshra.s32 s1, $0x2  }
.Ltmp3:
0x18: {  	[tilespmem:s1+$0x13680] =	vst v1;
	s0 =	rddreg [dreg:$0x1];
	(pc) =	sbr.rel .LBB2_4-.Ltmp3, $4  }
0x19: {  	[tilespmem:s17], [sflag:$0x3] =	stream.linear.gather [hbm4b:s0+s17], $0x2710, $0x38;
	[tilespmem:$0x1D680] =	vst v63  }
0x1a: {  	_ =	swait.ge [sflag:s9], $0x2710  }
0x1b: {  	[sflag:s9] =	ssyncset.done $0x0  }
0x1c: {  	s18 =	simm.s32 $0x0;
	s19 =	simm.s32 $0x0;
	[sflag:s9] =	ssyncadd.s32 $0xFFFFD8F0  }
.LBB2_16:
0x1d: {  	s19 =	sadd.s32 $0x1, s19  }
0x1e: {  	p0 =	sne.s32 s19, $0x28  }
.Ltmp4:
0x1f: {  	_ = 	snop;
	(pc) =	sbr.rel @!p0 .LBB2_17-.Ltmp4, $2  }
0x20: {  	_ =	sdelay $0x2  }
0x21: {  	s18 =	sadd.s32 $0x1F40, s18  }
.LBB2_4:
0x22: {  	s0 =	smul.u32 $0x1F40, s19;
	_ =	sdelay $0x1  }
0x23: {  	s0 =	sshrl.u32 s0, $0x3  }
0x24: {  	s1 =	sadd.s32 s4, s0  }
0x25: {  	[tilespmem:s10], [sflag:$0x3] =	stream.linear.gather [hbm4b:s1+s17], $0x1F40, $0x38;
	[tilespmem:$0x1D680] =	vst v63  }
0x26: {  	_ =	swait.ge [sflag:s9], $0x1F40  }
0x27: {  	[sflag:s9] =	ssyncset.done $0x0  }
0x28: {  	s0 =	sadd.s32 s5, s0;
	[sflag:s9] =	ssyncadd.s32 $0xFFFFE0C0  }
0x29: {  	[tilespmem:s11], [sflag:$0x3] =	stream.linear.gather [hbm4b:s0+s17], $0x1F40, $0x38;
	[tilespmem:$0x1D680] =	vst v63  }
0x2a: {  	_ =	swait.ge [sflag:s9], $0x1F40  }
0x2b: {  	[sflag:s9] =	ssyncset.done $0x0  }
0x2c: {  	s31 =	simm.s32 $0x0;
	[sflag:s9] =	ssyncadd.s32 $0xFFFFE0C0  }
0x2d: {  	v5 =	vld [tilespmem:s31+$0x2780];
	_ =	sdelay $0x2  }
0x2e: {  	v6 =	vld [tilespmem:s31+$0x4700];
	_ =	sdelay $0x1  }
0x2f: {  	v5 =	vadd.s32 v0, v5  }
0x30: {  	vm0 =	vlt.u32 v5, $0x140  }
0x31: {  	[tilespmem:s17+$0x6680] =	vst.msk vm0, v5  }
0x32: {  	[tilespmem:s17+$0x8680] =	vst.msk vm0, v6;
	v6 =	vmpcnt.ones.xlane vm0;
	_ =	sdelay $0x1  }
0x33: {  	(v2sf) =	vpush v6, $0x0;
	_ =	sdelay $0x2  }
0x34: {  	v5 =	vor.u32 s18, v2  }
0x35: {  	[tilespmem:s17+$0xA680] =	vst.msk vm0, v5;
	v5 =	vshrl.u32 v5, $0x3  }
0x36: {  	s21 =	simm.s32 $0x10;
	[tilespmem:s17+$0xC680] =	vst.msk vm0, v5  }
0x37: {  	s20 =	simm.s32 $0x80;
	s1 =	simm.s32 $0x0;
	s0 =	smov.u32 s18;
	v5 =	vld [tilespmem:s21+$0x4700]  }
.LBB2_5:
0x38: {  	p0 =	sne.s32 s20, $0x7CC0;
	v6 =	vld [tilespmem:s21+$0x2780];
	_ =	sdelay $0x4  }
0x39: {  	v6 =	vadd.s32 v0, v6  }
0x3a: {  	vm0 =	vlt.u32 v6, $0x140  }
0x3b: {  	v7 =	vmpcnt.ones.xlane vm0  }
0x3c: {  	s21 =	spop (v2sf)  }
0x3d: {  	(v2sf) =	vpush v7, $0x0;
	s1 =	sadd.s32 s1, s21  }
0x3e: {  	s0 =	sadd.s32 $0x10, s0;
	[tilespmem:s1+$0x6680] =	vst.msk vm0, v6  }
.Ltmp5:
0x3f: {  	[tilespmem:s1+$0x8680] =	vst.msk vm0, v5;
	v5 =	vor.u32 s0, v2;
	(pc) =	sbr.rel @p0 .LBB2_5-.Ltmp5, $4  }
0x40: {  	[tilespmem:s1+$0xA680] =	vst.msk vm0, v5;
	v5 =	vshrl.u32 v5, $0x3  }
0x41: {  	s21 =	sshra.s32 s20, $0x2;
	[tilespmem:s1+$0xC680] =	vst.msk vm0, v5  }
0x42: {  	v5 =	vld [tilespmem:s21+$0x4700]  }
0x43: {  	s20 =	sadd.s32 $0x40, s20  }
0x44: {  	v6 =	vld [tilespmem:s21+$0x2780];
	_ =	sdelay $0x4  }
0x45: {  	v6 =	vadd.s32 v0, v6  }
0x46: {  	vm0 =	vlt.u32 v6, $0x140  }
0x47: {  	v7 =	vmpcnt.ones.xlane vm0;
	_ =	sdelay $0x1  }
0x48: {  	(v2sf) =	vpush v7, $0x0;
	_ =	sdelay $0xd  }
0x49: {  	s20 =	spop (v2sf)  }
0x4a: {  	s1 =	sadd.s32 s1, s20;
	s29 =	spop (v2sf)  }
0x4b: {  	s20 =	sadd.s32 s1, s29  }
0x4c: {  	s30 =	sadd.s32 $0x4F, s20  }
0x4d: {  	s22 =	smulhi.u32 $0x66666667, s30;
	s23 =	sshra.s32 s30, $0x1F  }
0x4e: {  	s23 =	smul.u32 $0x66666667, s23;
	_ =	sdelay $0x1  }
0x4f: {  	s22 =	sadd.s32 s23, s22  }
0x50: {  	s23 =	sshrl.u32 s22, $0x1F;
	s22 =	sshra.s32 s22, $0x5  }
0x51: {  	s22 =	sadd.s32 s23, s22  }
0x52: {  	s23 =	smul.u32 $0xFFFFFFB0, s22  }
0x53: {  	s31 =	ssub.s32 $0xFFFFFFB1, s20  }
0x54: {  	p1 =	slt.s32 s30, $0x1;
	p0 =	sne.s32 s23, s31  }
0x55: {  	s0 =	sadd.s32 $0x10, s0;
	[tilespmem:s1+$0x6680] =	vst.msk vm0, v6;
	p0 =	por !p1, !p0  }
0x56: {  	[tilespmem:s1+$0x8680] =	vst.msk vm0, v5;
	v5 =	vor.u32 s0, v2;
	s0 =	simm.s32 $0x1;
	p0 =	por !p0, !p0  }
0x57: {  	s0 =	simm.s32 @!p0 $0x0  }
0x58: {  	[tilespmem:s1+$0xA680] =	vst.msk vm0, v5;
	v5 =	vshrl.u32 v5, $0x3;
	s21 =	ssub.s32 s22, s0  }
0x59: {  	[tilespmem:s1+$0xC680] =	vst.msk vm0, v5;
	p0 =	slt.s32 s21, $0x1  }
.Ltmp6:
0x5a: {  	[tilespmem:s20+$0xC680] =	vst v3;
	(pc) =	sbr.rel @p0 .LBB2_16-.Ltmp6, $4  }
0x5b: {  	[tilespmem:s20+$0xC690] =	vst v3  }
0x5c: {  	[tilespmem:s20+$0xC6A0] =	vst v3  }
0x5d: {  	[tilespmem:s20+$0xC6B0] =	vst v3  }
0x5e: {  	[tilespmem:s20+$0xC6C0] =	vst v3  }
.Ltmp7:
0x5f: {  	(pc) =	sbr.rel .LBB2_9-.Ltmp7, $4  }
0x60: {  	_ = 	snop  }
0x61: {  	[tilespmem:s14], [sflag:$0x1] =	stream.indirect.gather [hbm4b:s6+s12], $0x80, s13, s12, $0xb8;
	[tilespmem:$0x1D680] =	vst v63  }
0x62: {  	s22 =	simm.s32 $0x0;
	p0 =	por $0x0, $0x0;
	s23 =	simm.s32 $0xA680  }
0x63: {  	s24 =	simm.s32 $0x6680;
	s25 =	simm.s32 $0x8680;
	s26 =	smov.u32 s20  }
.LBB2_11:
0x64: {  	s30 =	smov.u32 s24;
	s31 =	smov.u32 s23;
	s29 =	smov.u32 s28  }
.LBB2_15:
0x65: {  	(v2sf) =	vpush v5, $0x0;
	_ =	sdelay $0x6  }
0x66: {  	s0 =	sadd.s32 @p1 $0x1, s30;
	s1 =	smov.u32 s24  }
0x67: {  	s2 =	smov.u32 s23;
	s1 =	smov.u32 @p1 s0;
	s0 =	sadd.s32 @p1 $0x1, s31  }
0x68: {  	v5 =	vld [tilespmem:s1+$0x0];
	s2 =	smov.u32 @p1 s0  }
0x69: {  	v6 =	vld [tilespmem:s2+$0x0];
	_ =	sdelay $0x3  }
0x6a: {  	(v2sf) =	vpush v5, $0x0  }
0x6b: {  	(v2sf) =	vpush v6, $0x0;
	s2 =	spop (v2sf)  }
0x6c: {  	v5 =	vld [tilespmem:s2+$0x0];
	_ =	sdelay $0x4  }
0x6d: {  	(v2sf) =	vpush v5, $0x0;
	_ =	sdelay $0x7  }
0x6e: {  	s3 =	spop (v2sf)  }
0x6f: {  	s30 =	spop (v2sf)  }
0x70: {  	s2 =	sadd.s32 @p1 $0x80, s29;
	s0 =	sshll.u32 s3, $0x9;
	s1 =	sand.u32 $0x7, s30  }
0x71: {  	s28 =	smov.u32 @p1 s2;
	s0 =	sshra.s32 s0, $0x2;
	s1 =	sshll.u32 s1, $0x4  }
0x72: {  	v5 =	vld [tilespmem:s0+$0x13680];
	s1 =	sadd.s32 s1, s28  }
0x73: {  	v6 =	vld [tilespmem:s1+$0x0];
	_ =	sdelay $0x1  }
0x74: {  	s31 =	spop (v2sf)  }
0x75: {  	s1 =	scvt.s32.f32 s31;
	_ =	sdelay $0x1  }
0x76: {  	v5 =	vadd.f32 v5, v6;
	v6 =	vmul.f32 s1, v4;
	_ =	sdelay $0x1  }
0x77: {  	v5 =	vadd.f32 v6, v5;
	_ =	sdelay $0x1  }
0x78: {  	[tilespmem:s0+$0x13680] =	vst v5  }
.LBB2_8:
0x79: {  	p1 =	seq.s32 s22, s21  }
.Ltmp8:
0x7a: {  	_ = 	snop;
	(pc) =	sbr.rel @p1 .LBB2_16-.Ltmp8, $3  }
0x7b: {  	_ =	sdelay $0x1  }
0x7c: {  	s26 =	sadd.s32 $0xFFFFFFB0, s26;
	p0 =	por !p0, !p0  }
0x7d: {  	s23 =	sadd.s32 $0x50, s23;
	s24 =	sadd.s32 $0x50, s24;
	s25 =	sadd.s32 $0x50, s25  }
.LBB2_9:
0x7e: {  	s0 =	smov.u32 s22;
	s22 =	sadd.s32 $0x1, s22  }
0x7f: {  	s1 =	sand.u32 $0x1, s0;
	p1 =	sge.s32 s22, s21;
	s0 =	smul.u32 $0x50, s0  }
0x80: {  	s28 =	sxor.u32 @!p1 $0x1, s1;
	s1 =	sadd.s32 $0x1, s1;
	s30 =	smul.u32 @!p1 $0x140, s22  }
0x81: {  	s29 =	smul.u32 @!p1 $0xA000, s28;
	_ =	swait.ge [sflag:s1], $0x2800  }
0x82: {  	s28 =	sadd.s32 @!p1 $0x1, s28;
	s0 =	ssub.s32 s20, s0;
	[sflag:s1] =	ssyncset.done $0x0  }
0x83: {  	s30 =	sshra.s32 @!p1 s30, $0x2;
	s29 =	sshrl.u32 @!p1 s29, $0x2;
	[sflag:s1] =	ssyncadd.s32 $0xFFFFD800  }
0x84: {  	s1 =	sadd.s32 @!p1 $0xE680, s29;
	s29 =	sadd.s32 @!p1 $0xC680, s30;
	s30 =	simm.s32 @!p1 $0x50  }
0x85: {  	[tilespmem:s1], [sflag:s28] =	stream.indirect.gather @!p1 [hbm4b:s6+s30], $0x80, s29, s30, $0xb8;
	[tilespmem:$0x1D680] =	vst v63  }
0x86: {  	p1 =	slt.s32 s0, $0x1  }
.Ltmp9:
0x87: {  	_ = 	snop;
	(pc) =	sbr.rel @p1 .LBB2_8-.Ltmp9, $1  }
0x88: {  	_ =	sdelay $0x3  }
0x89: {  	p1 =	sgt.s32 s26, $0x1;
	s1 =	smov.u32 s26  }
0x8a: {  	s1 =	simm.s32 @!p1 $0x1  }
0x8b: {  	s1 =	smin.u32 s1, $0x50  }
0x8c: {  	s0 =	simm.s32 $0x1;
	p2 =	seq.s32 s1, $0x1  }
.Ltmp10:
0x8d: {  	v5 =	vld [tilespmem:s25+$0x0];
	s0 =	simm.s32 @!p0 $0x0;
	(pc) =	sbr.rel @p2 .LBB2_11-.Ltmp10, $3  }
0x8e: {  	s0 =	smul.u32 $0xA000, s0;
	_ =	sdelay $0x1  }
0x8f: {  	s0 =	sshrl.u32 s0, $0x2  }
0x90: {  	p1 =	por $0x0, $0x0;
	s1 =	sadd.s32 $0xFFFFFFFF, s1;
	s28 =	sadd.s32 $0xE680, s0  }
0x91: {  	(v2sf) =	vpush v5, $0x0;
	_ =	sdelay $0x8  }
0x92: {  	v5 =	vld [tilespmem:s24+$0x0]  }
0x93: {  	v6 =	vld [tilespmem:s23+$0x0];
	_ =	sdelay $0x3  }
0x94: {  	(v2sf) =	vpush v5, $0x0  }
0x95: {  	(v2sf) =	vpush v6, $0x0;
	s0 =	spop (v2sf)  }
0x96: {  	v5 =	vld [tilespmem:s0+$0x0];
	_ =	sdelay $0x4  }
0x97: {  	(v2sf) =	vpush v5, $0x0;
	_ =	sdelay $0x7  }
0x98: {  	s3 =	spop (v2sf)  }
0x99: {  	s29 =	spop (v2sf)  }
0x9a: {  	s0 =	sshll.u32 s3, $0x9;
	s29 =	sand.u32 $0x7, s29  }
0x9b: {  	s0 =	sshra.s32 s0, $0x2;
	s29 =	sshll.u32 s29, $0x4  }
0x9c: {  	v5 =	vld [tilespmem:s0+$0x13680];
	s29 =	sadd.s32 s29, s28  }
0x9d: {  	v6 =	vld [tilespmem:s29+$0x0];
	_ =	sdelay $0x1  }
0x9e: {  	s29 =	spop (v2sf)  }
0x9f: {  	s29 =	scvt.s32.f32 s29;
	_ =	sdelay $0x1  }
0xa0: {  	v5 =	vadd.f32 v5, v6;
	v6 =	vmul.f32 s29, v4;
	_ =	sdelay $0x1  }
0xa1: {  	v5 =	vadd.f32 v6, v5;
	_ =	sdelay $0x1  }
0xa2: {  	p2 =	seq.s32 s1, $0x1;
	[tilespmem:s0+$0x13680] =	vst v5;
	s0 =	sadd.s32 $0x1, s25  }
.Ltmp11:
0xa3: {  	v5 =	vld [tilespmem:s0+$0x0];
	(pc) =	sbr.rel @p2 .LBB2_13-.Ltmp11, $3  }
0xa4: {  	_ =	sdelay $0x1  }
0xa5: {  	s1 =	sadd.s32 $0xFFFFFFFF, s1;
	p1 =	por $0x1, $0x1  }
0xa6: {  	s30 =	smov.u32 s24;
	s31 =	smov.u32 s23;
	s29 =	smov.u32 s28  }
.LBB2_14:
0xa7: {  	p2 =	seq.s32 s1, $0x1;
	_ =	sdelay $0x3  }
0xa8: {  	(v2sf) =	vpush v5, $0x0;
	_ =	sdelay $0x7  }
0xa9: {  	s30 =	sadd.s32 $0x1, s30  }
0xaa: {  	s31 =	sadd.s32 $0x1, s31;
	v5 =	vld [tilespmem:s30+$0x0]  }
0xab: {  	v6 =	vld [tilespmem:s31+$0x0];
	_ =	sdelay $0x3  }
0xac: {  	(v2sf) =	vpush v5, $0x0  }
0xad: {  	(v2sf) =	vpush v6, $0x0;
	s2 =	spop (v2sf)  }
0xae: {  	v5 =	vld [tilespmem:s2+$0x0];
	_ =	sdelay $0x4  }
0xaf: {  	(v2sf) =	vpush v5, $0x0;
	_ =	sdelay $0x7  }
0xb0: {  	s2 =	spop (v2sf)  }
0xb1: {  	s3 =	spop (v2sf)  }
0xb2: {  	s2 =	sshll.u32 s2, $0x9;
	s3 =	sand.u32 $0x7, s3  }
0xb3: {  	s29 =	sadd.s32 $0x80, s29;
	s2 =	sshra.s32 s2, $0x2;
	s3 =	sshll.u32 s3, $0x4  }
0xb4: {  	s3 =	sadd.s32 s3, s29;
	v5 =	vld [tilespmem:s2+$0x13680]  }
0xb5: {  	v6 =	vld [tilespmem:s3+$0x0];
	_ =	sdelay $0x1  }
0xb6: {  	s3 =	spop (v2sf)  }
0xb7: {  	s3 =	scvt.s32.f32 s3;
	_ =	sdelay $0x1  }
0xb8: {  	v5 =	vadd.f32 v5, v6;
	v6 =	vmul.f32 s3, v4  }
.Ltmp12:
0xb9: {  	(pc) =	sbr.rel @!p2 .LBB2_14-.Ltmp12, $3  }
0xba: {  	v5 =	vadd.f32 v6, v5;
	_ =	sdelay $0x1  }
0xbb: {  	s0 =	sadd.s32 $0x1, s0;
	[tilespmem:s2+$0x13680] =	vst v5  }
0xbc: {  	s1 =	sadd.s32 $0xFFFFFFFF, s1;
	v5 =	vld [tilespmem:s0+$0x0]  }
.Ltmp13:
0xbd: {  	_ = 	snop;
	(pc) =	sbr.rel .LBB2_15-.Ltmp13, $1  }
0xbe: {  	_ =	sdelay $0x3  }
.LBB2_13:
.Ltmp14:
0xbf: {  	(pc) =	sbr.rel .LBB2_15-.Ltmp14, $2  }
0xc0: {  	_ =	sdelay $0x2  }
0xc1: {  	s30 =	smov.u32 s24;
	s31 =	smov.u32 s23;
	s29 =	smov.u32 s28  }
.LBB2_18:
0xc2: {  	_ =	sfence.sel $0x180000  }
0xc3: {  	[bflag:$0x0] =	sbarrier.arrive $0xFFFF  }
0xc4: {  	_ =	strace $0x90000047  }
0xc5: {  	s0 =	stileid.u32;
	[bflag:$0x2] =	sbarrier.arrive $0xFFFF  }
0xc6: {  	p0 =	sne.s32 s0, $0x0;
	s0 =	rddreg [dreg:$0x2]  }
0xc7: {  	s0 =	sadd.s32 @!p0 $0x100000, s0  }
0xc8: {  	[sflag:s0] =	ssyncadd.tile.s32 @!p0 $0x1;
	_ =	shalt  }
.Lfunc_end2:
_tile_overlayer_lowered:
.L_overlay_start_2:
0xc9: {  	(tag) =	ssettag $0x2  }
0xca: {  	s0 =	rddreg [dreg:$0x0];
	s2 =	stileid.u32  }
0xcb: {  	s1 =	rddreg [dreg:$0x1];
	p0 =	sne.s32 s2, $0x0  }
0xcc: {  	s3 =	rddreg [dreg:$0x2];
	[bflag:$0x3] =	sbarrier.arrive $0xFFFF;
	s2 =	simm.s32 @!p0 $0x1C03  }
0xcd: {  	[timem:s3], [sflag:s2] =	dma.local @!p0 [hbm:s0], s1  }
0xce: {  	s0 =	simm.s32 @!p0 $0x3  }
0xcf: {  	_ =	swait.ge @!p0 [sflag:s0], s1  }
0xd0: {  	s1 =	ssub.s32 @!p0 $0x0, s1;
	[sflag:s0] =	ssyncset.done @!p0 $0x0  }
0xd1: {  	[sflag:s0] =	ssyncadd.s32 @!p0 s1  }
0xd2: {  	[bflag:$0x3] =	sbarrier.arrive $0xFFFF  }
0xd3: {  	_ =	shalt  }

</sc_bundles>
